<compile_context>
chip_gen: v7x
topology: tpu7x:2x2x1
jax: 0.10.2.dev20260603
libtpu: 0.0.44.dev20260713+nightly
codegen_flags: <defaults>
</compile_context>

<pallas_src>
import functools

import jax
import jax.numpy as jnp
from jax import lax
from jax.experimental import pallas as pl
from jax.experimental.pallas import tpu as pltpu
from jax.experimental.pallas import tpu_sc as plsc

_N, _C, _B, _S = 10000, 256, 64, 32
_NSEG = _B * _S
_CAND = 100
_K_LO = 101

_SC_CORES, _SC_SUBCORES = 2, 16
_NW = _SC_CORES * _SC_SUBCORES
_GPW = _NSEG // _NW
_BLK = 2000
_NBLK = _N // _BLK


def _sc_gather(x, node_idx):
    mesh = plsc.VectorSubcoreMesh(core_axis_name="c", subcore_axis_name="s")

    @functools.partial(
        pl.kernel,
        mesh=mesh,
        out_type=jax.ShapeDtypeStruct((_NSEG, _C), jnp.float32),
        scratch_types=[
            pltpu.VMEM((_GPW,), jnp.int32),
            pltpu.VMEM((_GPW, _C), jnp.float32),
            pltpu.SemaphoreType.DMA,
        ],
    )
    def k(x_hbm, idx_hbm, out_hbm, idx_v, rows_v, sem):
        wid = lax.axis_index("s") * _SC_CORES + lax.axis_index("c")
        base = wid * _GPW
        pltpu.sync_copy(idx_hbm.at[pl.ds(base, _GPW)], idx_v)
        pltpu.async_copy(x_hbm.at[idx_v], rows_v, sem).wait()
        pltpu.sync_copy(rows_v, out_hbm.at[pl.ds(base, _GPW)])

    return k(x, node_idx)


def _rowsum_sq(v):
    s = v * v
    t = s[:, :128] + s[:, 128:]
    w = 64
    while w >= 1:
        t = t[:, :w] + t[:, w:]
        w //= 2
    return t


def _fused_body(x_ref, wl_ref, xg_ref, w1_ref, b1_ref, w2_ref, b2_ref,
                proto_ref, sm_ref, am_ref, pn_scr):
    pid = pl.program_id(0)

    @pl.when(pid == 0)
    def _proto():
        xg = xg_ref[...]
        h = lax.dot_general(xg, wl_ref[...], (((1,), (1,)), ((), ())),
                            preferred_element_type=jnp.float32)
        s1 = lax.dot_general(h, w1_ref[...], (((1,), (1,)), ((), ())),
                             preferred_element_type=jnp.float32)
        s1 = jnp.maximum(s1 + b1_ref[...][None, :], 0.0)
        w2p = jnp.where(
            lax.broadcasted_iota(jnp.int32, (8, _C // 2), 0) == 0,
            jnp.broadcast_to(w2_ref[...], (8, _C // 2)), 0.0)
        scm = lax.dot_general(s1, w2p, (((1,), (1,)), ((), ())),
                              preferred_element_type=jnp.float32)
        sc = scm[:, 0:1] + b2_ref[0]
        sc2 = sc.reshape(_B, _S)
        m = jnp.max(sc2, axis=1, keepdims=True)
        e = jnp.exp(sc2 - m)
        ssum = jnp.sum(e, axis=1, keepdims=True)
        att = (e / ssum).reshape(_NSEG, 1)
        w3 = (h * att).reshape(_B, _S, _C)
        proto = w3[:, 0, :]
        for j in range(1, _S):
            proto = proto + w3[:, j, :]
        proto_ref[...] = proto
        n = jnp.sqrt(_rowsum_sq(proto))
        pn_scr[...] = proto / jnp.maximum(n, 1e-12)

    @pl.when(pid > 0)
    def _sim():
        xb = x_ref[...]
        xp = lax.dot_general(xb, wl_ref[...], (((1,), (1,)), ((), ())),
                             preferred_element_type=jnp.float32)
        n = jnp.sqrt(jnp.sum(xp * xp, axis=1, keepdims=True))
        xn = xp / jnp.maximum(n, 1e-12)
        tt = lax.dot_general(pn_scr[...], xn, (((1,), (1,)), ((), ())),
                             preferred_element_type=jnp.float32)
        smr = jnp.max(tt, axis=0, keepdims=True)
        rowi = lax.broadcasted_iota(jnp.int32, tt.shape, 0)
        amr = jnp.min(jnp.where(tt == smr, rowi, _B), axis=0, keepdims=True)
        sm_ref[...] = smr[None]
        am_ref[...] = amr[None]


def _fused_tc(x, W_lin, xg, att_W1, att_b1, att_W2, att_b2):
    return pl.pallas_call(
        _fused_body,
        grid=(_NBLK + 1,),
        in_specs=[
            pl.BlockSpec((_BLK, _C), lambda i: (jnp.maximum(i - 1, 0), 0)),
            pl.BlockSpec((_C, _C), lambda i: (0, 0)),
            pl.BlockSpec((_NSEG, _C), lambda i: (0, 0)),
            pl.BlockSpec((_C // 2, _C), lambda i: (0, 0)),
            pl.BlockSpec((_C // 2,), lambda i: (0,)),
            pl.BlockSpec((1, _C // 2), lambda i: (0, 0)),
            pl.BlockSpec(memory_space=pltpu.SMEM),
        ],
        out_specs=(
            pl.BlockSpec((_B, _C), lambda i: (0, 0)),
            pl.BlockSpec((1, 1, _BLK), lambda i: (jnp.maximum(i - 1, 0), 0, 0)),
            pl.BlockSpec((1, 1, _BLK), lambda i: (jnp.maximum(i - 1, 0), 0, 0)),
        ),
        out_shape=(jax.ShapeDtypeStruct((_B, _C), jnp.float32),
                   jax.ShapeDtypeStruct((_NBLK, 1, _BLK), jnp.float32),
                   jax.ShapeDtypeStruct((_NBLK, 1, _BLK), jnp.int32)),
        scratch_shapes=[pltpu.VMEM((_B, _C), jnp.float32)],
    )(x, W_lin, xg, att_W1, att_b1, att_W2, att_b2)


def _select_body(sm_ref, am_ref, nid_ref, fm_ref, ci_ref, ca_ref):
    sm = jnp.squeeze(sm_ref[...], axis=1)
    u = lax.bitcast_convert_type(sm, jnp.uint32)
    big = jnp.uint32(0x80000000)
    key = jnp.where(u >= big, ~u, u | big)

    def bstep(i, ans):
        bit = lax.shift_left(jnp.uint32(1), jnp.uint32(31) - i.astype(jnp.uint32))
        cand = ans | bit
        cnt = jnp.sum((key >= cand).astype(jnp.int32))
        return jnp.where(cnt >= _K_LO, cand, ans)

    keylo = lax.fori_loop(0, 32, bstep, jnp.uint32(0))
    ulo = jnp.where(keylo >= big, keylo ^ big, ~keylo)
    v_lo = lax.bitcast_convert_type(ulo, jnp.float32)

    c_ge = jnp.sum((sm >= v_lo).astype(jnp.int32))
    v_above = jnp.min(jnp.where(sm > v_lo, sm, jnp.inf))
    v_hi = jnp.where(c_ge > _K_LO, v_lo, v_above)

    qi = jnp.float32(0.99) * jnp.float32(_N - 1)
    hw = qi - jnp.floor(qi)
    lw = jnp.float32(1.0) - hw
    thresh = v_lo * lw + v_hi * hw

    cm = (sm > thresh)
    cmf = cm.astype(jnp.float32)
    total = jnp.sum(cm.astype(jnp.int32))

    s = cm.astype(jnp.int32)
    d = 1
    while d < _BLK:
        s = s + jnp.concatenate(
            [jnp.zeros((_NBLK, d), jnp.int32), s[:, :_BLK - d]], axis=1)
        d *= 2
    rowtot = s[:, _BLK - 1:_BLK]
    r = rowtot
    d = 1
    while d < _NBLK:
        r = r + jnp.concatenate(
            [jnp.zeros((d, 1), jnp.int32), r[:_NBLK - d, :]], axis=0)
        d *= 2
    cum = s + (r - rowtot)

    tk = lax.broadcasted_iota(jnp.int32, (1, 1, _CAND), 2) + 1
    cmp = (cum[:, :, None] < tk).astype(jnp.int32)
    idx100 = jnp.sum(cmp, axis=(0, 1))
    kk = lax.broadcasted_iota(jnp.int32, (_CAND,), 0)
    ci = jnp.where(kk < total, idx100, 0)
    ci_ref[...] = ci

    pos = (lax.broadcasted_iota(jnp.int32, (_NBLK, _BLK), 0) * _BLK
           + lax.broadcasted_iota(jnp.int32, (_NBLK, _BLK), 1))
    match = (pos[:, :, None] == ci[None, None, :])
    am = jnp.squeeze(am_ref[...], axis=1)
    ca_ref[...] = jnp.sum(jnp.where(match, am[:, :, None], 0), axis=(0, 1))

    nid = nid_ref[...]
    q = nid // _BLK
    m1 = (q == lax.broadcasted_iota(jnp.int32, (1, _NBLK), 1)
          ).astype(jnp.float32)
    m2 = ((nid - q * _BLK) == lax.broadcasted_iota(jnp.int32, (1, _BLK), 1)
          ).astype(jnp.float32)
    hcnt = lax.dot_general(m1, m2, (((0,), (0,)), ((), ())),
                           preferred_element_type=jnp.float32)
    hf = (hcnt > 0.5).astype(jnp.float32)
    fm_ref[...] = hf + (1.0 - hf) * cmf


def _select_tc(sm3, am3, nid):
    return pl.pallas_call(
        _select_body,
        out_shape=(jax.ShapeDtypeStruct((_NBLK, _BLK), jnp.float32),
                   jax.ShapeDtypeStruct((_CAND,), jnp.int32),
                   jax.ShapeDtypeStruct((_CAND,), jnp.int32)),
    )(sm3, am3, nid)


def kernel(x, edge_index, edge_weight, subG_node, W_lin,
           att_W1, att_b1, att_W2, att_b2):
    del edge_index, edge_weight
    node_idx = subG_node.reshape(-1).astype(jnp.int32)
    xg = _sc_gather(x, node_idx)
    proto, sm3, am3 = _fused_tc(x, W_lin, xg, att_W1, att_b1, att_W2, att_b2)
    fm, ci, ca = _select_tc(sm3, am3, node_idx.reshape(_NSEG, 1))
    final_mask = fm.reshape(_N, 1)
    return final_mask, proto, ci, ca

# --- scband reference (transcript-rebuilt; emitter-appended) ---
"""Pipeline reference for scband-dynamic-proto-mask-2164663517535 (READ-ONLY COPY).

The authoritative reference and input builder live on the scoring server;
editing this copy changes nothing except your own understanding.
"""

import jax, jax.numpy as jnp
import numpy as np

N = 10000
C = 256
E = 160000
B = 64
S = 32


def setup_inputs(seed: int = 0) -> dict:
    key = jax.random.key(seed)
    ks = jax.random.split(key, 9)
    x = jax.random.normal(ks[0], (N, C), dtype=jnp.float32)
    edge_index = jax.random.randint(ks[1], (2, E), 0, N)
    edge_weight = jax.random.uniform(ks[2], (E,), dtype=jnp.float32)
    subG_node = jax.random.randint(ks[3], (B, S), 0, N)
    W_lin = jax.random.normal(ks[4], (C, C), dtype=jnp.float32) * 0.05
    att_W1 = jax.random.normal(ks[5], (C // 2, C), dtype=jnp.float32) * 0.05
    att_b1 = jnp.zeros((C // 2,), dtype=jnp.float32)
    att_W2 = jax.random.normal(ks[6], (1, C // 2), dtype=jnp.float32) * 0.05
    att_b2 = jnp.zeros((1,), dtype=jnp.float32)
    return {"x": x, "edge_index": edge_index, "edge_weight": edge_weight, "subG_node": subG_node, "W_lin": W_lin, "att_W1": att_W1, "att_b1": att_b1, "att_W2": att_W2, "att_b2": att_b2}


def _normalize(v, axis=-1):
    n = jnp.linalg.norm(v, axis=axis, keepdims=True)
    return v / jnp.maximum(n, 1e-12)


def reference(x, edge_index, edge_weight, subG_node, W_lin, att_W1, att_b1, att_W2, att_b2):
    # x_proj = self.lin(x)  (bias=False)
    x_proj = x @ W_lin.T
    Bn, Sn = subG_node.shape
    # subG_node is a dense tensor with all entries valid (>= 0), so each row
    # contributes exactly Sn nodes -> repeat_interleave collapses to jnp.repeat.
    batch_idx = jnp.repeat(jnp.arange(Bn), Sn)
    node_idx = subG_node.reshape(-1)
    h = x_proj[node_idx]
    # att_mlp: Linear(C, C//2) -> ReLU -> Linear(C//2, 1)
    att_score = (jnp.maximum(h @ att_W1.T + att_b1, 0.0) @ att_W2.T + att_b2)[:, 0]
    # scatter_softmax over batch_idx
    seg_max = jax.ops.segment_max(att_score, batch_idx, num_segments=Bn)
    e = jnp.exp(att_score - seg_max[batch_idx])
    seg_sum = jax.ops.segment_sum(e, batch_idx, num_segments=Bn)
    att = e / seg_sum[batch_idx]
    weighted = h * att[:, None]
    proto = jax.ops.segment_sum(weighted, batch_idx, num_segments=Bn)
    x_norm = _normalize(x_proj)
    proto_norm = _normalize(proto)
    sim_mat = x_norm @ proto_norm.T
    hard_mask = jnp.zeros((x.shape[0],), dtype=jnp.float32).at[node_idx].set(1.0)
    # top_k is None path: 99th percentile threshold on per-node max similarity
    sim_max = sim_mat.max(axis=1)
    thresh = jnp.quantile(sim_max, 0.99)
    candidate = (sim_max > thresh).astype(jnp.float32)
    sim_argmax = jnp.argmax(sim_mat, axis=1)
    Nn = x.shape[0]
    cand_size = Nn - 1 - int(np.floor(0.99 * (Nn - 1)))
    candidate_idx = jnp.nonzero(candidate == 1.0, size=cand_size)[0]
    candidate_assign = sim_argmax[candidate_idx]
    final_mask = hard_mask + (1.0 - hard_mask) * candidate
    return (final_mask[:, None], proto, candidate_idx, candidate_assign)

if __name__ == "__main__":
    import jax
    _d = setup_inputs()
    print(jax.jit(kernel)(*tuple(_d.values())))

</pallas_src>

<mosaic_0001>
#map = affine_map<(d0, d1) -> (0, 0)>
#map1 = affine_map<(d0, d1) -> (0)>
module attributes {stable_mosaic.version = 14 : i64} {
  func.func @k(%arg0: i32, %arg1: i32, %arg2: memref<10000x256xf32, #tpu.memory_space<hbm>>, %arg3: memref<2048xi32, #tpu.memory_space<hbm>>, %arg4: memref<2048x256xf32, #tpu.memory_space<hbm>>, %arg5: memref<64xi32, #tpu.memory_space<vmem>>, %arg6: memref<64x256xf32, #tpu.memory_space<vmem>>, %arg7: memref<!tpu.dma_semaphore, #tpu.memory_space<semaphore_mem>>) attributes {dimension_semantics = [#tpu.dimension_semantics<core_parallel>, #tpu.dimension_semantics<subcore_parallel>], iteration_bounds = array<i64: 2, 16>, scalar_prefetch = 0 : i64, scratch_operands = 3 : i64, tpu.core_type = #tpu.core_type<sc_vector_subcore>, window_params = [{transform_indices = #map}, {transform_indices = #map1}, {transform_indices = #map}]} {
    %mul3A = arith.constant 2 : i32
    %mul3A_0 = arith.muli %arg1, %mul3A : i32
    %add3A = arith.addi %mul3A_0, %arg0 : i32
    %mul3A_1 = arith.constant 64 : i32
    %mul3A_2 = arith.muli %add3A, %mul3A_1 : i32
    "tpu.region"() ({
      %run_scoped3A = tpu.sem_alloc : memref<!tpu.dma_semaphore, #tpu.memory_space<semaphore_mem>>
      %dma_start3A_7 = tpu.memref_slice %arg3[%mul3A_2] : memref<2048xi32, #tpu.memory_space<hbm>> -> memref<64xi32, #tpu.memory_space<hbm>>
      %dma_start3A_8 = tpu.memref_slice %arg3[%mul3A_2] : memref<2048xi32, #tpu.memory_space<hbm>> -> memref<64xi32, #tpu.memory_space<hbm>>
      tpu.enqueue_dma source(%dma_start3A_8 : memref<64xi32, #tpu.memory_space<hbm>>) target(%arg5 : memref<64xi32, #tpu.memory_space<vmem>>) target_semaphore(%run_scoped3A : memref<!tpu.dma_semaphore, #tpu.memory_space<semaphore_mem>>)
      %dma_wait3A_9 = tpu.memref_slice %arg3[%mul3A_2] : memref<2048xi32, #tpu.memory_space<hbm>> -> memref<64xi32, #tpu.memory_space<hbm>>
      %dma_wait3A_10 = tpu.memref_slice %arg3[%mul3A_2] : memref<2048xi32, #tpu.memory_space<hbm>> -> memref<64xi32, #tpu.memory_space<hbm>>
      tpu.wait_dma2 semaphore(%run_scoped3A : memref<!tpu.dma_semaphore, #tpu.memory_space<semaphore_mem>>) src(%dma_wait3A_10 : memref<64xi32, #tpu.memory_space<hbm>>) dst(%arg5 : memref<64xi32, #tpu.memory_space<vmem>>)
      tpu.yield
    }) : () -> ()
    %dma_start3A = arith.constant 0 : i32
    %dma_start3A_3 = arith.constant 0 : i32
    %dma_start3A_4 = tpu.memref_slice %arg2[%dma_start3A, %dma_start3A_3] : memref<10000x256xf32, #tpu.memory_space<hbm>> -> memref<10000x256xf32, #tpu.memory_space<hbm>>
    tpu.enqueue_indirect_dma source(%dma_start3A_4 : memref<10000x256xf32, #tpu.memory_space<hbm>>) target(%arg6 : memref<64x256xf32, #tpu.memory_space<vmem>>) offsets(%arg5 : memref<64xi32, #tpu.memory_space<vmem>>) semaphore(%arg7 : memref<!tpu.dma_semaphore, #tpu.memory_space<semaphore_mem>>)
    %dma_wait3A = arith.constant 0 : i32
    %dma_wait3A_5 = arith.constant 0 : i32
    %dma_wait3A_6 = tpu.memref_slice %arg2[%dma_wait3A, %dma_wait3A_5] : memref<10000x256xf32, #tpu.memory_space<hbm>> -> memref<10000x256xf32, #tpu.memory_space<hbm>>
    tpu.wait_indirect_dma semaphore(%arg7 : memref<!tpu.dma_semaphore, #tpu.memory_space<semaphore_mem>>) src(%dma_wait3A_6 : memref<10000x256xf32, #tpu.memory_space<hbm>>) dst(%arg6 : memref<64x256xf32, #tpu.memory_space<vmem>>)
    "tpu.region"() ({
      %run_scoped3A = tpu.sem_alloc : memref<!tpu.dma_semaphore, #tpu.memory_space<semaphore_mem>>
      %dma_start3A_7 = arith.constant 0 : i32
      %dma_start3A_8 = tpu.memref_slice %arg4[%mul3A_2, %dma_start3A_7] : memref<2048x256xf32, #tpu.memory_space<hbm>> -> memref<64x256xf32, #tpu.memory_space<hbm>>
      %dma_start3A_9 = arith.constant 0 : i32
      %dma_start3A_10 = tpu.memref_slice %arg4[%mul3A_2, %dma_start3A_9] : memref<2048x256xf32, #tpu.memory_space<hbm>> -> memref<64x256xf32, #tpu.memory_space<hbm>>
      tpu.enqueue_dma source(%arg6 : memref<64x256xf32, #tpu.memory_space<vmem>>) target(%dma_start3A_10 : memref<64x256xf32, #tpu.memory_space<hbm>>) target_semaphore(%run_scoped3A : memref<!tpu.dma_semaphore, #tpu.memory_space<semaphore_mem>>)
      %dma_wait3A_11 = arith.constant 0 : i32
      %dma_wait3A_12 = tpu.memref_slice %arg4[%mul3A_2, %dma_wait3A_11] : memref<2048x256xf32, #tpu.memory_space<hbm>> -> memref<64x256xf32, #tpu.memory_space<hbm>>
      %dma_wait3A_13 = arith.constant 0 : i32
      %dma_wait3A_14 = tpu.memref_slice %arg4[%mul3A_2, %dma_wait3A_13] : memref<2048x256xf32, #tpu.memory_space<hbm>> -> memref<64x256xf32, #tpu.memory_space<hbm>>
      tpu.wait_dma2 semaphore(%run_scoped3A : memref<!tpu.dma_semaphore, #tpu.memory_space<semaphore_mem>>) src(%arg6 : memref<64x256xf32, #tpu.memory_space<vmem>>) dst(%dma_wait3A_14 : memref<64x256xf32, #tpu.memory_space<hbm>>)
      tpu.yield
    }) : () -> ()
    return
  }
}

module attributes {stable_mosaic.version = 14 : i64} {
  func.func @_fused_body(%arg0: i32, %arg1: memref<2000x256xf32, #tpu.memory_space<vmem>>, %arg2: memref<256x256xf32, #tpu.memory_space<vmem>>, %arg3: memref<2048x256xf32, #tpu.memory_space<vmem>>, %arg4: memref<128x256xf32, #tpu.memory_space<vmem>>, %arg5: memref<128xf32, #tpu.memory_space<vmem>>, %arg6: memref<1x128xf32, #tpu.memory_space<vmem>>, %arg7: memref<1xf32, #tpu.memory_space<smem>>, %arg8: memref<64x256xf32, #tpu.memory_space<vmem>>, %arg9: memref<1x1x2000xf32, #tpu.memory_space<vmem>>, %arg10: memref<1x1x2000xi32, #tpu.memory_space<vmem>>, %arg11: memref<64x256xf32, #tpu.memory_space<vmem>>) attributes {dimension_semantics = [#tpu.dimension_semantics<arbitrary>], iteration_bounds = array<i64: 6>, scalar_prefetch = 0 : i64, scratch_operands = 1 : i64, tpu.core_type = #tpu.core_type<tc>, window_params = [{transform_indices = @transform_0, window_bounds = array<i64: 2000, 256>}, {pipeline_mode = #tpu.pipeline_mode<synchronous>, transform_indices = @transform_1, window_bounds = array<i64: 256, 256>}, {pipeline_mode = #tpu.pipeline_mode<synchronous>, transform_indices = @transform_2, window_bounds = array<i64: 2048, 256>}, {pipeline_mode = #tpu.pipeline_mode<synchronous>, transform_indices = @transform_3, window_bounds = array<i64: 128, 256>}, {pipeline_mode = #tpu.pipeline_mode<synchronous>, transform_indices = @transform_4, window_bounds = array<i64: 128>}, {pipeline_mode = #tpu.pipeline_mode<synchronous>, transform_indices = @transform_5, window_bounds = array<i64: 1, 128>}, {transform_indices = @transform_6, window_bounds = array<i64: 1>}, {pipeline_mode = #tpu.pipeline_mode<synchronous>, transform_indices = @transform_7, window_bounds = array<i64: 64, 256>}, {transform_indices = @transform_8, window_bounds = array<i64: 1, 1, 2000>}, {transform_indices = @transform_9, window_bounds = array<i64: 1, 1, 2000>}]} {
    %eq3A = arith.constant 0 : i32
    %eq3A_0 = arith.cmpi eq, %arg0, %eq3A : i32
    %convert_element_type3A = arith.extui %eq3A_0 : i1 to i32
    %cond3A = arith.constant 0 : i32
    %cond3A_1 = arith.cmpi ne, %convert_element_type3A, %cond3A : i32
    scf.if %cond3A_1 {
      %get3A = arith.constant 0 : index
      %get3A_6 = arith.constant 0 : index
      %get3A_7 = vector.load %arg3[%get3A, %get3A_6] : memref<2048x256xf32, #tpu.memory_space<vmem>>, vector<2048x256xf32>
      %get3A_8 = arith.constant 0 : index
      %get3A_9 = arith.constant 0 : index
      %get3A_10 = vector.load %arg2[%get3A_8, %get3A_9] : memref<256x256xf32, #tpu.memory_space<vmem>>, vector<256x256xf32>
      %dot_general3A = arith.constant dense<0.000000e+00> : vector<2048x256xf32>
      %dot_general3A_11 = tpu.matmul %get3A_7, %get3A_10, %dot_general3A {dimension_numbers = #tpu.dot_dimension_numbers<[1], [1], [0], [0], [0, 0, 1, 0], [], []>, transpose_lhs_hint = false} : vector<2048x256xf32>, vector<256x256xf32>, vector<2048x256xf32> -> vector<2048x256xf32>
      %get3A_12 = arith.constant 0 : index
      %get3A_13 = arith.constant 0 : index
      %get3A_14 = vector.load %arg4[%get3A_12, %get3A_13] : memref<128x256xf32, #tpu.memory_space<vmem>>, vector<128x256xf32>
      %dot_general3A_15 = arith.constant dense<0.000000e+00> : vector<2048x128xf32>
      %dot_general3A_16 = tpu.matmul %dot_general3A_11, %get3A_14, %dot_general3A_15 {dimension_numbers = #tpu.dot_dimension_numbers<[1], [1], [0], [0], [0, 0, 1, 0], [], []>, transpose_lhs_hint = false} : vector<2048x256xf32>, vector<128x256xf32>, vector<2048x128xf32> -> vector<2048x128xf32>
      %get3A_17 = arith.constant 0 : index
      %get3A_18 = vector.load %arg5[%get3A_17] : memref<128xf32, #tpu.memory_space<vmem>>, vector<128xf32>
      %broadcast_in_dim3A = vector.shape_cast %get3A_18 : vector<128xf32> to vector<1x128xf32>
      %add3A = vector.broadcast %broadcast_in_dim3A : vector<1x128xf32> to vector<2048x128xf32>
      %add3A_19 = arith.addf %dot_general3A_16, %add3A : vector<2048x128xf32>
      %max3A = arith.constant 0.000000e+00 : f32
      %max3A_20 = vector.broadcast %max3A : f32 to vector<2048x128xf32>
      %max3A_21 = arith.maximumf %add3A_19, %max3A_20 : vector<2048x128xf32>
      %iota3A = tpu.iota {dimensions = array<i32: 0>} : vector<8x128xi32>
      %eq3A_22 = arith.constant 0 : i32
      %eq3A_23 = vector.broadcast %eq3A_22 : i32 to vector<8x128xi32>
      %eq3A_24 = arith.cmpi eq, %iota3A, %eq3A_23 : vector<8x128xi32>
      %get3A_25 = arith.constant 0 : index
      %get3A_26 = arith.constant 0 : index
      %get3A_27 = vector.load %arg6[%get3A_25, %get3A_26] : memref<1x128xf32, #tpu.memory_space<vmem>>, vector<1x128xf32>
      %broadcast_in_dim3A_28 = vector.shape_cast %get3A_27 : vector<1x128xf32> to vector<1x128xf32>
      %broadcast_in_dim3A_29 = vector.broadcast %broadcast_in_dim3A_28 : vector<1x128xf32> to vector<8x128xf32>
      %jit3A = arith.constant 0.000000e+00 : f32
      %broadcast_in_dim3A_30 = vector.broadcast %jit3A : f32 to vector<8x128xf32>
      %select_n3A = arith.select %eq3A_24, %broadcast_in_dim3A_29, %broadcast_in_dim3A_30 : vector<8x128xi1>, vector<8x128xf32>
      %dot_general3A_31 = arith.constant dense<0.000000e+00> : vector<2048x8xf32>
      %dot_general3A_32 = tpu.matmul %max3A_21, %select_n3A, %dot_general3A_31 {dimension_numbers = #tpu.dot_dimension_numbers<[1], [1], [0], [0], [0, 0, 1, 0], [], []>, transpose_lhs_hint = false} : vector<2048x128xf32>, vector<8x128xf32>, vector<2048x8xf32> -> vector<2048x8xf32>
      %slice3A = vector.extract_strided_slice %dot_general3A_32 {offsets = [0, 0], sizes = [2048, 1], strides = [1, 1]} : vector<2048x8xf32> to vector<2048x1xf32>
      %get3A_33 = arith.constant 0 : index
      %get3A_34 = memref.load %arg7[%get3A_33] : memref<1xf32, #tpu.memory_space<smem>>
      %add3A_35 = vector.broadcast %get3A_34 : f32 to vector<2048x1xf32>
      %add3A_36 = arith.addf %slice3A, %add3A_35 : vector<2048x1xf32>
      %reshape3A = vector.shape_cast %add3A_36 : vector<2048x1xf32> to vector<64x32xf32>
      %reduce_max3A = arith.constant dense<0xFF800000> : vector<64xf32>
      %reduce_max3A_37 = vector.multi_reduction <maximumf>, %reshape3A, %reduce_max3A [1] : vector<64x32xf32> to vector<64xf32>
      %broadcast_in_dim3A_38 = vector.shape_cast %reduce_max3A_37 : vector<64xf32> to vector<64x1xf32>
      %sub3A = vector.broadcast %broadcast_in_dim3A_38 : vector<64x1xf32> to vector<64x32xf32>
      %sub3A_39 = arith.subf %reshape3A, %sub3A : vector<64x32xf32>
      %exp3A = math.exp %sub3A_39 : vector<64x32xf32>
      %reduce_sum3A = arith.constant dense<0.000000e+00> : vector<64xf32>
      %reduce_sum3A_40 = vector.multi_reduction <add>, %exp3A, %reduce_sum3A [1] : vector<64x32xf32> to vector<64xf32>
      %broadcast_in_dim3A_41 = vector.shape_cast %reduce_sum3A_40 : vector<64xf32> to vector<64x1xf32>
      %div3A = vector.broadcast %broadcast_in_dim3A_41 : vector<64x1xf32> to vector<64x32xf32>
      %div3A_42 = arith.divf %exp3A, %div3A : vector<64x32xf32>
      %reshape3A_43 = vector.shape_cast %div3A_42 : vector<64x32xf32> to vector<2048x1xf32>
      %mul3A = vector.broadcast %reshape3A_43 : vector<2048x1xf32> to vector<2048x256xf32>
      %mul3A_44 = arith.mulf %dot_general3A_11, %mul3A : vector<2048x256xf32>
      %reshape3A_45 = vector.shape_cast %mul3A_44 : vector<2048x256xf32> to vector<64x32x256xf32>
      %slice3A_46 = vector.extract_strided_slice %reshape3A_45 {offsets = [0, 0, 0], sizes = [64, 1, 256], strides = [1, 1, 1]} : vector<64x32x256xf32> to vector<64x1x256xf32>
      %squeeze3A = vector.shape_cast %slice3A_46 : vector<64x1x256xf32> to vector<64x256xf32>
      %slice3A_47 = vector.extract_strided_slice %reshape3A_45 {offsets = [0, 1, 0], sizes = [64, 1, 256], strides = [1, 1, 1]} : vector<64x32x256xf32> to vector<64x1x256xf32>
      %squeeze3A_48 = vector.shape_cast %slice3A_47 : vector<64x1x256xf32> to vector<64x256xf32>
      %add3A_49 = arith.addf %squeeze3A, %squeeze3A_48 : vector<64x256xf32>
      %slice3A_50 = vector.extract_strided_slice %reshape3A_45 {offsets = [0, 2, 0], sizes = [64, 1, 256], strides = [1, 1, 1]} : vector<64x32x256xf32> to vector<64x1x256xf32>
      %squeeze3A_51 = vector.shape_cast %slice3A_50 : vector<64x1x256xf32> to vector<64x256xf32>
      %add3A_52 = arith.addf %add3A_49, %squeeze3A_51 : vector<64x256xf32>
      %slice3A_53 = vector.extract_strided_slice %reshape3A_45 {offsets = [0, 3, 0], sizes = [64, 1, 256], strides = [1, 1, 1]} : vector<64x32x256xf32> to vector<64x1x256xf32>
      %squeeze3A_54 = vector.shape_cast %slice3A_53 : vector<64x1x256xf32> to vector<64x256xf32>
      %add3A_55 = arith.addf %add3A_52, %squeeze3A_54 : vector<64x256xf32>
      %slice3A_56 = vector.extract_strided_slice %reshape3A_45 {offsets = [0, 4, 0], sizes = [64, 1, 256], strides = [1, 1, 1]} : vector<64x32x256xf32> to vector<64x1x256xf32>
      %squeeze3A_57 = vector.shape_cast %slice3A_56 : vector<64x1x256xf32> to vector<64x256xf32>
      %add3A_58 = arith.addf %add3A_55, %squeeze3A_57 : vector<64x256xf32>
      %slice3A_59 = vector.extract_strided_slice %reshape3A_45 {offsets = [0, 5, 0], sizes = [64, 1, 256], strides = [1, 1, 1]} : vector<64x32x256xf32> to vector<64x1x256xf32>
      %squeeze3A_60 = vector.shape_cast %slice3A_59 : vector<64x1x256xf32> to vector<64x256xf32>
      %add3A_61 = arith.addf %add3A_58, %squeeze3A_60 : vector<64x256xf32>
      %slice3A_62 = vector.extract_strided_slice %reshape3A_45 {offsets = [0, 6, 0], sizes = [64, 1, 256], strides = [1, 1, 1]} : vector<64x32x256xf32> to vector<64x1x256xf32>
      %squeeze3A_63 = vector.shape_cast %slice3A_62 : vector<64x1x256xf32> to vector<64x256xf32>
      %add3A_64 = arith.addf %add3A_61, %squeeze3A_63 : vector<64x256xf32>
      %slice3A_65 = vector.extract_strided_slice %reshape3A_45 {offsets = [0, 7, 0], sizes = [64, 1, 256], strides = [1, 1, 1]} : vector<64x32x256xf32> to vector<64x1x256xf32>
      %squeeze3A_66 = vector.shape_cast %slice3A_65 : vector<64x1x256xf32> to vector<64x256xf32>
      %add3A_67 = arith.addf %add3A_64, %squeeze3A_66 : vector<64x256xf32>
      %slice3A_68 = vector.extract_strided_slice %reshape3A_45 {offsets = [0, 8, 0], sizes = [64, 1, 256], strides = [1, 1, 1]} : vector<64x32x256xf32> to vector<64x1x256xf32>
      %squeeze3A_69 = vector.shape_cast %slice3A_68 : vector<64x1x256xf32> to vector<64x256xf32>
      %add3A_70 = arith.addf %add3A_67, %squeeze3A_69 : vector<64x256xf32>
      %slice3A_71 = vector.extract_strided_slice %reshape3A_45 {offsets = [0, 9, 0], sizes = [64, 1, 256], strides = [1, 1, 1]} : vector<64x32x256xf32> to vector<64x1x256xf32>
      %squeeze3A_72 = vector.shape_cast %slice3A_71 : vector<64x1x256xf32> to vector<64x256xf32>
      %add3A_73 = arith.addf %add3A_70, %squeeze3A_72 : vector<64x256xf32>
      %slice3A_74 = vector.extract_strided_slice %reshape3A_45 {offsets = [0, 10, 0], sizes = [64, 1, 256], strides = [1, 1, 1]} : vector<64x32x256xf32> to vector<64x1x256xf32>
      %squeeze3A_75 = vector.shape_cast %slice3A_74 : vector<64x1x256xf32> to vector<64x256xf32>
      %add3A_76 = arith.addf %add3A_73, %squeeze3A_75 : vector<64x256xf32>
      %slice3A_77 = vector.extract_strided_slice %reshape3A_45 {offsets = [0, 11, 0], sizes = [64, 1, 256], strides = [1, 1, 1]} : vector<64x32x256xf32> to vector<64x1x256xf32>
      %squeeze3A_78 = vector.shape_cast %slice3A_77 : vector<64x1x256xf32> to vector<64x256xf32>
      %add3A_79 = arith.addf %add3A_76, %squeeze3A_78 : vector<64x256xf32>
      %slice3A_80 = vector.extract_strided_slice %reshape3A_45 {offsets = [0, 12, 0], sizes = [64, 1, 256], strides = [1, 1, 1]} : vector<64x32x256xf32> to vector<64x1x256xf32>
      %squeeze3A_81 = vector.shape_cast %slice3A_80 : vector<64x1x256xf32> to vector<64x256xf32>
      %add3A_82 = arith.addf %add3A_79, %squeeze3A_81 : vector<64x256xf32>
      %slice3A_83 = vector.extract_strided_slice %reshape3A_45 {offsets = [0, 13, 0], sizes = [64, 1, 256], strides = [1, 1, 1]} : vector<64x32x256xf32> to vector<64x1x256xf32>
      %squeeze3A_84 = vector.shape_cast %slice3A_83 : vector<64x1x256xf32> to vector<64x256xf32>
      %add3A_85 = arith.addf %add3A_82, %squeeze3A_84 : vector<64x256xf32>
      %slice3A_86 = vector.extract_strided_slice %reshape3A_45 {offsets = [0, 14, 0], sizes = [64, 1, 256], strides = [1, 1, 1]} : vector<64x32x256xf32> to vector<64x1x256xf32>
      %squeeze3A_87 = vector.shape_cast %slice3A_86 : vector<64x1x256xf32> to vector<64x256xf32>
      %add3A_88 = arith.addf %add3A_85, %squeeze3A_87 : vector<64x256xf32>
      %slice3A_89 = vector.extract_strided_slice %reshape3A_45 {offsets = [0, 15, 0], sizes = [64, 1, 256], strides = [1, 1, 1]} : vector<64x32x256xf32> to vector<64x1x256xf32>
      %squeeze3A_90 = vector.shape_cast %slice3A_89 : vector<64x1x256xf32> to vector<64x256xf32>
      %add3A_91 = arith.addf %add3A_88, %squeeze3A_90 : vector<64x256xf32>
      %slice3A_92 = vector.extract_strided_slice %reshape3A_45 {offsets = [0, 16, 0], sizes = [64, 1, 256], strides = [1, 1, 1]} : vector<64x32x256xf32> to vector<64x1x256xf32>
      %squeeze3A_93 = vector.shape_cast %slice3A_92 : vector<64x1x256xf32> to vector<64x256xf32>
      %add3A_94 = arith.addf %add3A_91, %squeeze3A_93 : vector<64x256xf32>
      %slice3A_95 = vector.extract_strided_slice %reshape3A_45 {offsets = [0, 17, 0], sizes = [64, 1, 256], strides = [1, 1, 1]} : vector<64x32x256xf32> to vector<64x1x256xf32>
      %squeeze3A_96 = vector.shape_cast %slice3A_95 : vector<64x1x256xf32> to vector<64x256xf32>
      %add3A_97 = arith.addf %add3A_94, %squeeze3A_96 : vector<64x256xf32>
      %slice3A_98 = vector.extract_strided_slice %reshape3A_45 {offsets = [0, 18, 0], sizes = [64, 1, 256], strides = [1, 1, 1]} : vector<64x32x256xf32> to vector<64x1x256xf32>
      %squeeze3A_99 = vector.shape_cast %slice3A_98 : vector<64x1x256xf32> to vector<64x256xf32>
      %add3A_100 = arith.addf %add3A_97, %squeeze3A_99 : vector<64x256xf32>
      %slice3A_101 = vector.extract_strided_slice %reshape3A_45 {offsets = [0, 19, 0], sizes = [64, 1, 256], strides = [1, 1, 1]} : vector<64x32x256xf32> to vector<64x1x256xf32>
      %squeeze3A_102 = vector.shape_cast %slice3A_101 : vector<64x1x256xf32> to vector<64x256xf32>
      %add3A_103 = arith.addf %add3A_100, %squeeze3A_102 : vector<64x256xf32>
      %slice3A_104 = vector.extract_strided_slice %reshape3A_45 {offsets = [0, 20, 0], sizes = [64, 1, 256], strides = [1, 1, 1]} : vector<64x32x256xf32> to vector<64x1x256xf32>
      %squeeze3A_105 = vector.shape_cast %slice3A_104 : vector<64x1x256xf32> to vector<64x256xf32>
      %add3A_106 = arith.addf %add3A_103, %squeeze3A_105 : vector<64x256xf32>
      %slice3A_107 = vector.extract_strided_slice %reshape3A_45 {offsets = [0, 21, 0], sizes = [64, 1, 256], strides = [1, 1, 1]} : vector<64x32x256xf32> to vector<64x1x256xf32>
      %squeeze3A_108 = vector.shape_cast %slice3A_107 : vector<64x1x256xf32> to vector<64x256xf32>
      %add3A_109 = arith.addf %add3A_106, %squeeze3A_108 : vector<64x256xf32>
      %slice3A_110 = vector.extract_strided_slice %reshape3A_45 {offsets = [0, 22, 0], sizes = [64, 1, 256], strides = [1, 1, 1]} : vector<64x32x256xf32> to vector<64x1x256xf32>
      %squeeze3A_111 = vector.shape_cast %slice3A_110 : vector<64x1x256xf32> to vector<64x256xf32>
      %add3A_112 = arith.addf %add3A_109, %squeeze3A_111 : vector<64x256xf32>
      %slice3A_113 = vector.extract_strided_slice %reshape3A_45 {offsets = [0, 23, 0], sizes = [64, 1, 256], strides = [1, 1, 1]} : vector<64x32x256xf32> to vector<64x1x256xf32>
      %squeeze3A_114 = vector.shape_cast %slice3A_113 : vector<64x1x256xf32> to vector<64x256xf32>
      %add3A_115 = arith.addf %add3A_112, %squeeze3A_114 : vector<64x256xf32>
      %slice3A_116 = vector.extract_strided_slice %reshape3A_45 {offsets = [0, 24, 0], sizes = [64, 1, 256], strides = [1, 1, 1]} : vector<64x32x256xf32> to vector<64x1x256xf32>
      %squeeze3A_117 = vector.shape_cast %slice3A_116 : vector<64x1x256xf32> to vector<64x256xf32>
      %add3A_118 = arith.addf %add3A_115, %squeeze3A_117 : vector<64x256xf32>
      %slice3A_119 = vector.extract_strided_slice %reshape3A_45 {offsets = [0, 25, 0], sizes = [64, 1, 256], strides = [1, 1, 1]} : vector<64x32x256xf32> to vector<64x1x256xf32>
      %squeeze3A_120 = vector.shape_cast %slice3A_119 : vector<64x1x256xf32> to vector<64x256xf32>
      %add3A_121 = arith.addf %add3A_118, %squeeze3A_120 : vector<64x256xf32>
      %slice3A_122 = vector.extract_strided_slice %reshape3A_45 {offsets = [0, 26, 0], sizes = [64, 1, 256], strides = [1, 1, 1]} : vector<64x32x256xf32> to vector<64x1x256xf32>
      %squeeze3A_123 = vector.shape_cast %slice3A_122 : vector<64x1x256xf32> to vector<64x256xf32>
      %add3A_124 = arith.addf %add3A_121, %squeeze3A_123 : vector<64x256xf32>
      %slice3A_125 = vector.extract_strided_slice %reshape3A_45 {offsets = [0, 27, 0], sizes = [64, 1, 256], strides = [1, 1, 1]} : vector<64x32x256xf32> to vector<64x1x256xf32>
      %squeeze3A_126 = vector.shape_cast %slice3A_125 : vector<64x1x256xf32> to vector<64x256xf32>
      %add3A_127 = arith.addf %add3A_124, %squeeze3A_126 : vector<64x256xf32>
      %slice3A_128 = vector.extract_strided_slice %reshape3A_45 {offsets = [0, 28, 0], sizes = [64, 1, 256], strides = [1, 1, 1]} : vector<64x32x256xf32> to vector<64x1x256xf32>
      %squeeze3A_129 = vector.shape_cast %slice3A_128 : vector<64x1x256xf32> to vector<64x256xf32>
      %add3A_130 = arith.addf %add3A_127, %squeeze3A_129 : vector<64x256xf32>
      %slice3A_131 = vector.extract_strided_slice %reshape3A_45 {offsets = [0, 29, 0], sizes = [64, 1, 256], strides = [1, 1, 1]} : vector<64x32x256xf32> to vector<64x1x256xf32>
      %squeeze3A_132 = vector.shape_cast %slice3A_131 : vector<64x1x256xf32> to vector<64x256xf32>
      %add3A_133 = arith.addf %add3A_130, %squeeze3A_132 : vector<64x256xf32>
      %slice3A_134 = vector.extract_strided_slice %reshape3A_45 {offsets = [0, 30, 0], sizes = [64, 1, 256], strides = [1, 1, 1]} : vector<64x32x256xf32> to vector<64x1x256xf32>
      %squeeze3A_135 = vector.shape_cast %slice3A_134 : vector<64x1x256xf32> to vector<64x256xf32>
      %add3A_136 = arith.addf %add3A_133, %squeeze3A_135 : vector<64x256xf32>
      %slice3A_137 = vector.extract_strided_slice %reshape3A_45 {offsets = [0, 31, 0], sizes = [64, 1, 256], strides = [1, 1, 1]} : vector<64x32x256xf32> to vector<64x1x256xf32>
      %squeeze3A_138 = vector.shape_cast %slice3A_137 : vector<64x1x256xf32> to vector<64x256xf32>
      %add3A_139 = arith.addf %add3A_136, %squeeze3A_138 : vector<64x256xf32>
      %swap3A = arith.constant 0 : index
      %swap3A_140 = arith.constant 0 : index
      %swap3A_141 = vector.load %arg8[%swap3A, %swap3A_140] : memref<64x256xf32, #tpu.memory_space<vmem>>, vector<64x256xf32>
      tpu.vector_store %arg8[%swap3A, %swap3A_140], %add3A_139 {strides = array<i32>} : memref<64x256xf32, #tpu.memory_space<vmem>>, vector<64x256xf32>,
      %mul3A_142 = arith.mulf %add3A_139, %add3A_139 : vector<64x256xf32>
      %slice3A_143 = vector.extract_strided_slice %mul3A_142 {offsets = [0, 0], sizes = [64, 128], strides = [1, 1]} : vector<64x256xf32> to vector<64x128xf32>
      %slice3A_144 = vector.extract_strided_slice %mul3A_142 {offsets = [0, 128], sizes = [64, 128], strides = [1, 1]} : vector<64x256xf32> to vector<64x128xf32>
      %add3A_145 = arith.addf %slice3A_143, %slice3A_144 : vector<64x128xf32>
      %slice3A_146 = vector.extract_strided_slice %add3A_145 {offsets = [0, 0], sizes = [64, 64], strides = [1, 1]} : vector<64x128xf32> to vector<64x64xf32>
      %slice3A_147 = vector.extract_strided_slice %add3A_145 {offsets = [0, 64], sizes = [64, 64], strides = [1, 1]} : vector<64x128xf32> to vector<64x64xf32>
      %add3A_148 = arith.addf %slice3A_146, %slice3A_147 : vector<64x64xf32>
      %slice3A_149 = vector.extract_strided_slice %add3A_148 {offsets = [0, 0], sizes = [64, 32], strides = [1, 1]} : vector<64x64xf32> to vector<64x32xf32>
      %slice3A_150 = vector.extract_strided_slice %add3A_148 {offsets = [0, 32], sizes = [64, 32], strides = [1, 1]} : vector<64x64xf32> to vector<64x32xf32>
      %add3A_151 = arith.addf %slice3A_149, %slice3A_150 : vector<64x32xf32>
      %slice3A_152 = vector.extract_strided_slice %add3A_151 {offsets = [0, 0], sizes = [64, 16], strides = [1, 1]} : vector<64x32xf32> to vector<64x16xf32>
      %slice3A_153 = vector.extract_strided_slice %add3A_151 {offsets = [0, 16], sizes = [64, 16], strides = [1, 1]} : vector<64x32xf32> to vector<64x16xf32>
      %add3A_154 = arith.addf %slice3A_152, %slice3A_153 : vector<64x16xf32>
      %slice3A_155 = vector.extract_strided_slice %add3A_154 {offsets = [0, 0], sizes = [64, 8], strides = [1, 1]} : vector<64x16xf32> to vector<64x8xf32>
      %slice3A_156 = vector.extract_strided_slice %add3A_154 {offsets = [0, 8], sizes = [64, 8], strides = [1, 1]} : vector<64x16xf32> to vector<64x8xf32>
      %add3A_157 = arith.addf %slice3A_155, %slice3A_156 : vector<64x8xf32>
      %slice3A_158 = vector.extract_strided_slice %add3A_157 {offsets = [0, 0], sizes = [64, 4], strides = [1, 1]} : vector<64x8xf32> to vector<64x4xf32>
      %slice3A_159 = vector.extract_strided_slice %add3A_157 {offsets = [0, 4], sizes = [64, 4], strides = [1, 1]} : vector<64x8xf32> to vector<64x4xf32>
      %add3A_160 = arith.addf %slice3A_158, %slice3A_159 : vector<64x4xf32>
      %slice3A_161 = vector.extract_strided_slice %add3A_160 {offsets = [0, 0], sizes = [64, 2], strides = [1, 1]} : vector<64x4xf32> to vector<64x2xf32>
      %slice3A_162 = vector.extract_strided_slice %add3A_160 {offsets = [0, 2], sizes = [64, 2], strides = [1, 1]} : vector<64x4xf32> to vector<64x2xf32>
      %add3A_163 = arith.addf %slice3A_161, %slice3A_162 : vector<64x2xf32>
      %slice3A_164 = vector.extract_strided_slice %add3A_163 {offsets = [0, 0], sizes = [64, 1], strides = [1, 1]} : vector<64x2xf32> to vector<64x1xf32>
      %slice3A_165 = vector.extract_strided_slice %add3A_163 {offsets = [0, 1], sizes = [64, 1], strides = [1, 1]} : vector<64x2xf32> to vector<64x1xf32>
      %add3A_166 = arith.addf %slice3A_164, %slice3A_165 : vector<64x1xf32>
      %sqrt3A = math.sqrt %add3A_166 : vector<64x1xf32>
      %max3A_167 = arith.constant 9.99999996E-13 : f32
      %max3A_168 = vector.broadcast %max3A_167 : f32 to vector<64x1xf32>
      %max3A_169 = arith.maximumf %sqrt3A, %max3A_168 : vector<64x1xf32>
      %div3A_170 = vector.broadcast %max3A_169 : vector<64x1xf32> to vector<64x256xf32>
      %div3A_171 = arith.divf %add3A_139, %div3A_170 : vector<64x256xf32>
      %swap3A_172 = arith.constant 0 : index
      %swap3A_173 = arith.constant 0 : index
      %swap3A_174 = vector.load %arg11[%swap3A_172, %swap3A_173] : memref<64x256xf32, #tpu.memory_space<vmem>>, vector<64x256xf32>
      tpu.vector_store %arg11[%swap3A_172, %swap3A_173], %div3A_171 {strides = array<i32>} : memref<64x256xf32, #tpu.memory_space<vmem>>, vector<64x256xf32>,
    } else {
    }
    %gt3A = arith.constant 0 : i32
    %gt3A_2 = arith.cmpi sgt, %arg0, %gt3A : i32
    %convert_element_type3A_3 = arith.extui %gt3A_2 : i1 to i32
    %cond3A_4 = arith.constant 0 : i32
    %cond3A_5 = arith.cmpi ne, %convert_element_type3A_3, %cond3A_4 : i32
    scf.if %cond3A_5 {
      %get3A = arith.constant 0 : index
      %get3A_6 = arith.constant 0 : index
      %get3A_7 = vector.load %arg1[%get3A, %get3A_6] : memref<2000x256xf32, #tpu.memory_space<vmem>>, vector<2000x256xf32>
      %get3A_8 = arith.constant 0 : index
      %get3A_9 = arith.constant 0 : index
      %get3A_10 = vector.load %arg2[%get3A_8, %get3A_9] : memref<256x256xf32, #tpu.memory_space<vmem>>, vector<256x256xf32>
      %dot_general3A = arith.constant dense<0.000000e+00> : vector<2000x256xf32>
      %dot_general3A_11 = tpu.matmul %get3A_7, %get3A_10, %dot_general3A {dimension_numbers = #tpu.dot_dimension_numbers<[1], [1], [0], [0], [0, 0, 1, 0], [], []>, transpose_lhs_hint = false} : vector<2000x256xf32>, vector<256x256xf32>, vector<2000x256xf32> -> vector<2000x256xf32>
      %mul3A = arith.mulf %dot_general3A_11, %dot_general3A_11 : vector<2000x256xf32>
      %reduce_sum3A = arith.constant dense<0.000000e+00> : vector<2000xf32>
      %reduce_sum3A_12 = vector.multi_reduction <add>, %mul3A, %reduce_sum3A [1] : vector<2000x256xf32> to vector<2000xf32>
      %broadcast_in_dim3A = vector.shape_cast %reduce_sum3A_12 : vector<2000xf32> to vector<2000x1xf32>
      %sqrt3A = math.sqrt %broadcast_in_dim3A : vector<2000x1xf32>
      %max3A = arith.constant 9.99999996E-13 : f32
      %max3A_13 = vector.broadcast %max3A : f32 to vector<2000x1xf32>
      %max3A_14 = arith.maximumf %sqrt3A, %max3A_13 : vector<2000x1xf32>
      %div3A = vector.broadcast %max3A_14 : vector<2000x1xf32> to vector<2000x256xf32>
      %div3A_15 = arith.divf %dot_general3A_11, %div3A : vector<2000x256xf32>
      %get3A_16 = arith.constant 0 : index
      %get3A_17 = arith.constant 0 : index
      %get3A_18 = vector.load %arg11[%get3A_16, %get3A_17] : memref<64x256xf32, #tpu.memory_space<vmem>>, vector<64x256xf32>
      %dot_general3A_19 = arith.constant dense<0.000000e+00> : vector<64x2000xf32>
      %dot_general3A_20 = tpu.matmul %get3A_18, %div3A_15, %dot_general3A_19 {dimension_numbers = #tpu.dot_dimension_numbers<[1], [1], [0], [0], [0, 0, 1, 0], [], []>, transpose_lhs_hint = false} : vector<64x256xf32>, vector<2000x256xf32>, vector<64x2000xf32> -> vector<64x2000xf32>
      %reduce_max3A = arith.constant dense<0xFF800000> : vector<2000xf32>
      %reduce_max3A_21 = vector.multi_reduction <maximumf>, %dot_general3A_20, %reduce_max3A [0] : vector<64x2000xf32> to vector<2000xf32>
      %broadcast_in_dim3A_22 = vector.shape_cast %reduce_max3A_21 : vector<2000xf32> to vector<1x2000xf32>
      %iota3A = tpu.iota {dimensions = array<i32: 0>} : vector<64x2000xi32>
      %eq3A_23 = vector.broadcast %broadcast_in_dim3A_22 : vector<1x2000xf32> to vector<64x2000xf32>
      %eq3A_24 = arith.cmpf oeq, %dot_general3A_20, %eq3A_23 : vector<64x2000xf32>
      %jit3A = arith.constant 64 : i32
      %broadcast_in_dim3A_25 = vector.broadcast %jit3A : i32 to vector<64x2000xi32>
      %select_n3A = arith.select %eq3A_24, %iota3A, %broadcast_in_dim3A_25 : vector<64x2000xi1>, vector<64x2000xi32>
      %reduce_min3A = arith.constant dense<2147483647> : vector<2000xi32>
      %reduce_min3A_26 = vector.multi_reduction <minsi>, %select_n3A, %reduce_min3A [0] : vector<64x2000xi32> to vector<2000xi32>
      %broadcast_in_dim3A_27 = vector.shape_cast %reduce_min3A_26 : vector<2000xi32> to vector<1x2000xi32>
      %broadcast_in_dim3A_28 = vector.shape_cast %broadcast_in_dim3A_22 : vector<1x2000xf32> to vector<1x1x2000xf32>
      %swap3A = arith.constant 0 : index
      %swap3A_29 = arith.constant 0 : index
      %swap3A_30 = arith.constant 0 : index
      %swap3A_31 = vector.load %arg9[%swap3A, %swap3A_29, %swap3A_30] : memref<1x1x2000xf32, #tpu.memory_space<vmem>>, vector<1x1x2000xf32>
      tpu.vector_store %arg9[%swap3A, %swap3A_29, %swap3A_30], %broadcast_in_dim3A_28 {strides = array<i32>} : memref<1x1x2000xf32, #tpu.memory_space<vmem>>, vector<1x1x2000xf32>,
      %broadcast_in_dim3A_32 = vector.shape_cast %broadcast_in_dim3A_27 : vector<1x2000xi32> to vector<1x1x2000xi32>
      %swap3A_33 = arith.constant 0 : index
      %swap3A_34 = arith.constant 0 : index
      %swap3A_35 = arith.constant 0 : index
      %swap3A_36 = vector.load %arg10[%swap3A_33, %swap3A_34, %swap3A_35] : memref<1x1x2000xi32, #tpu.memory_space<vmem>>, vector<1x1x2000xi32>
      tpu.vector_store %arg10[%swap3A_33, %swap3A_34, %swap3A_35], %broadcast_in_dim3A_32 {strides = array<i32>} : memref<1x1x2000xi32, #tpu.memory_space<vmem>>, vector<1x1x2000xi32>,
    } else {
    }
    return
  }
  func.func @transform_0(%arg0: i32) -> (i32, i32) {
    %sub3A = arith.constant 1 : i32
    %sub3A_0 = arith.subi %arg0, %sub3A : i32
    %max3A = arith.constant 0 : i32
    %max3A_1 = arith.maxsi %sub3A_0, %max3A : i32
    %c0_i32 = arith.constant 0 : i32
    %c0_i32_2 = arith.constant 0 : i32
    return %max3A_1, %c0_i32 : i32, i32
  }
  func.func @transform_1(%arg0: i32) -> (i32, i32) {
    %c0_i32 = arith.constant 0 : i32
    %c0_i32_0 = arith.constant 0 : i32
    %c0_i32_1 = arith.constant 0 : i32
    return %c0_i32, %c0_i32_0 : i32, i32
  }
  func.func @transform_2(%arg0: i32) -> (i32, i32) {
    %c0_i32 = arith.constant 0 : i32
    %c0_i32_0 = arith.constant 0 : i32
    %c0_i32_1 = arith.constant 0 : i32
    return %c0_i32, %c0_i32_0 : i32, i32
  }
  func.func @transform_3(%arg0: i32) -> (i32, i32) {
    %c0_i32 = arith.constant 0 : i32
    %c0_i32_0 = arith.constant 0 : i32
    %c0_i32_1 = arith.constant 0 : i32
    return %c0_i32, %c0_i32_0 : i32, i32
  }
  func.func @transform_4(%arg0: i32) -> i32 {
    %c0_i32 = arith.constant 0 : i32
    %c0_i32_0 = arith.constant 0 : i32
    return %c0_i32 : i32
  }
  func.func @transform_5(%arg0: i32) -> (i32, i32) {
    %c0_i32 = arith.constant 0 : i32
    %c0_i32_0 = arith.constant 0 : i32
    %c0_i32_1 = arith.constant 0 : i32
    return %c0_i32, %c0_i32_0 : i32, i32
  }
  func.func @transform_6(%arg0: i32) -> i32 {
    %c0_i32 = arith.constant 0 : i32
    %c0_i32_0 = arith.constant 0 : i32
    return %c0_i32 : i32
  }
  func.func @transform_7(%arg0: i32) -> (i32, i32) {
    %c0_i32 = arith.constant 0 : i32
    %c0_i32_0 = arith.constant 0 : i32
    %c0_i32_1 = arith.constant 0 : i32
    return %c0_i32, %c0_i32_0 : i32, i32
  }
  func.func @transform_8(%arg0: i32) -> (i32, i32, i32) {
    %sub3A = arith.constant 1 : i32
    %sub3A_0 = arith.subi %arg0, %sub3A : i32
    %max3A = arith.constant 0 : i32
    %max3A_1 = arith.maxsi %sub3A_0, %max3A : i32
    %c0_i32 = arith.constant 0 : i32
    %c0_i32_2 = arith.constant 0 : i32
    %c0_i32_3 = arith.constant 0 : i32
    return %max3A_1, %c0_i32, %c0_i32_2 : i32, i32, i32
  }
  func.func @transform_9(%arg0: i32) -> (i32, i32, i32) {
    %sub3A = arith.constant 1 : i32
    %sub3A_0 = arith.subi %arg0, %sub3A : i32
    %max3A = arith.constant 0 : i32
    %max3A_1 = arith.maxsi %sub3A_0, %max3A : i32
    %c0_i32 = arith.constant 0 : i32
    %c0_i32_2 = arith.constant 0 : i32
    %c0_i32_3 = arith.constant 0 : i32
    return %max3A_1, %c0_i32, %c0_i32_2 : i32, i32, i32
  }
}

module attributes {stable_mosaic.version = 14 : i64} {
  func.func @_select_body(%arg0: memref<5x1x2000xf32, #tpu.memory_space<vmem>>, %arg1: memref<5x1x2000xi32, #tpu.memory_space<vmem>>, %arg2: memref<2048x1xi32, #tpu.memory_space<vmem>>, %arg3: memref<5x2000xf32, #tpu.memory_space<vmem>>, %arg4: memref<100xi32, #tpu.memory_space<vmem>>, %arg5: memref<100xi32, #tpu.memory_space<vmem>>) attributes {dimension_semantics = [], scalar_prefetch = 0 : i64, scratch_operands = 0 : i64, tpu.core_type = #tpu.core_type<tc>} {
    %get3A = arith.constant 0 : index
    %get3A_0 = arith.constant 0 : index
    %get3A_1 = arith.constant 0 : index
    %get3A_2 = vector.load %arg0[%get3A, %get3A_0, %get3A_1] : memref<5x1x2000xf32, #tpu.memory_space<vmem>>, vector<5x1x2000xf32>
    %squeeze3A = vector.shape_cast %get3A_2 : vector<5x1x2000xf32> to vector<5x2000xf32>
    %bitcast_convert_type3A = tpu.bitcast %squeeze3A : vector<5x2000xf32> -> vector<5x2000xi32>
    %ge3A = arith.constant -2147483648 : i32
    %ge3A_3 = vector.broadcast %ge3A : i32 to vector<5x2000xi32>
    %ge3A_4 = arith.cmpi uge, %bitcast_convert_type3A, %ge3A_3 : vector<5x2000xi32>
    %not3A = arith.constant dense<-1> : vector<5x2000xi32>
    %not3A_5 = arith.xori %bitcast_convert_type3A, %not3A : vector<5x2000xi32>
    %or3A = arith.constant -2147483648 : i32
    %or3A_6 = vector.broadcast %or3A : i32 to vector<5x2000xi32>
    %or3A_7 = arith.ori %bitcast_convert_type3A, %or3A_6 : vector<5x2000xi32>
    %select_n3A = arith.select %ge3A_4, %not3A_5, %or3A_7 : vector<5x2000xi1>, vector<5x2000xi32>
    %scan3A = arith.constant 0 : i32
    %scan3A_8 = arith.constant 0 : i32
    %scan3A_9 = arith.constant 32 : i32
    %scan3A_10 = arith.addi %scan3A_8, %scan3A_9 : i32
    %scan3A_11 = arith.constant 1 : i32
    %scan3A_12 = scf.for %scan3A_226 = %scan3A_8 to %scan3A_10 step %scan3A_11 iter_args(%scan3A_227 = %scan3A) -> (i32)  : i32 {
      %sub3A_228 = arith.constant 31 : i32
      %sub3A_229 = arith.subi %sub3A_228, %scan3A_226 : i32
      %shift_left3A = arith.constant 1 : i32
      %shift_left3A_230 = arith.shli %shift_left3A, %sub3A_229 : i32
      %or3A_231 = arith.ori %scan3A_227, %shift_left3A_230 : i32
      %ge3A_232 = vector.broadcast %or3A_231 : i32 to vector<5x2000xi32>
      %ge3A_233 = arith.cmpi uge, %select_n3A, %ge3A_232 : vector<5x2000xi32>
      %convert_element_type3A_234 = arith.extui %ge3A_233 : vector<5x2000xi1> to vector<5x2000xi32>
      %reduce_sum3A_235 = vector.shape_cast %convert_element_type3A_234 : vector<5x2000xi32> to vector<1x5x2000xi32>
      %reduce_sum3A_236 = arith.constant dense<0> : vector<1xi32>
      %reduce_sum3A_237 = vector.multi_reduction <add>, %reduce_sum3A_235, %reduce_sum3A_236 [1, 2] : vector<1x5x2000xi32> to vector<1xi32>
      %reduce_sum3A_238 = vector.shape_cast %reduce_sum3A_237 : vector<1xi32> to vector<1x1x1xi32>
      %reduce_sum3A_239 = vector.extract %reduce_sum3A_238[0, 0, 0] : i32 from vector<1x1x1xi32>
      %ge3A_240 = arith.constant 101 : i32
      %ge3A_241 = arith.cmpi sge, %reduce_sum3A_239, %ge3A_240 : i32
      %select_n3A_242 = arith.select %ge3A_241, %or3A_231, %scan3A_227 : i32
      scf.yield %select_n3A_242 : i32
    }
    %scan3A_13 = arith.constant 32 : i32
    %ge3A_14 = arith.constant -2147483648 : i32
    %ge3A_15 = arith.cmpi uge, %scan3A_12, %ge3A_14 : i32
    %xor3A = arith.constant -2147483648 : i32
    %xor3A_16 = arith.xori %scan3A_12, %xor3A : i32
    %not3A_17 = arith.constant -1 : i32
    %not3A_18 = arith.xori %scan3A_12, %not3A_17 : i32
    %select_n3A_19 = arith.select %ge3A_15, %xor3A_16, %not3A_18 : i32
    %bitcast_convert_type3A_20 = arith.bitcast %select_n3A_19 : i32 to f32
    %ge3A_21 = vector.broadcast %bitcast_convert_type3A_20 : f32 to vector<5x2000xf32>
    %ge3A_22 = arith.cmpf oge, %squeeze3A, %ge3A_21 : vector<5x2000xf32>
    %convert_element_type3A = arith.extui %ge3A_22 : vector<5x2000xi1> to vector<5x2000xi32>
    %reduce_sum3A = vector.shape_cast %convert_element_type3A : vector<5x2000xi32> to vector<1x5x2000xi32>
    %reduce_sum3A_23 = arith.constant dense<0> : vector<1xi32>
    %reduce_sum3A_24 = vector.multi_reduction <add>, %reduce_sum3A, %reduce_sum3A_23 [1, 2] : vector<1x5x2000xi32> to vector<1xi32>
    %reduce_sum3A_25 = vector.shape_cast %reduce_sum3A_24 : vector<1xi32> to vector<1x1x1xi32>
    %reduce_sum3A_26 = vector.extract %reduce_sum3A_25[0, 0, 0] : i32 from vector<1x1x1xi32>
    %gt3A = vector.broadcast %bitcast_convert_type3A_20 : f32 to vector<5x2000xf32>
    %gt3A_27 = arith.cmpf ogt, %squeeze3A, %gt3A : vector<5x2000xf32>
    %jit3A = arith.constant 0x7F800000 : f32
    %broadcast_in_dim3A = vector.broadcast %jit3A : f32 to vector<5x2000xf32>
    %select_n3A_28 = arith.select %gt3A_27, %squeeze3A, %broadcast_in_dim3A : vector<5x2000xi1>, vector<5x2000xf32>
    %reduce_min3A = vector.shape_cast %select_n3A_28 : vector<5x2000xf32> to vector<1x5x2000xf32>
    %reduce_min3A_29 = arith.constant dense<0x7F800000> : vector<1xf32>
    %reduce_min3A_30 = vector.multi_reduction <minimumf>, %reduce_min3A, %reduce_min3A_29 [1, 2] : vector<1x5x2000xf32> to vector<1xf32>
    %reduce_min3A_31 = vector.shape_cast %reduce_min3A_30 : vector<1xf32> to vector<1x1x1xf32>
    %reduce_min3A_32 = vector.extract %reduce_min3A_31[0, 0, 0] : f32 from vector<1x1x1xf32>
    %gt3A_33 = arith.constant 101 : i32
    %gt3A_34 = arith.cmpi sgt, %reduce_sum3A_26, %gt3A_33 : i32
    %select_n3A_35 = arith.select %gt3A_34, %bitcast_convert_type3A_20, %reduce_min3A_32 : f32
    %mul3A = arith.constant 9.900000e-01 : f32
    %mul3A_36 = arith.constant 9.999000e+03 : f32
    %mul3A_37 = arith.mulf %mul3A, %mul3A_36 : f32
    %floor3A = math.floor %mul3A_37 : f32
    %sub3A = arith.subf %mul3A_37, %floor3A : f32
    %sub3A_38 = arith.constant 1.000000e+00 : f32
    %sub3A_39 = arith.subf %sub3A_38, %sub3A : f32
    %mul3A_40 = arith.mulf %bitcast_convert_type3A_20, %sub3A_39 : f32
    %mul3A_41 = arith.mulf %select_n3A_35, %sub3A : f32
    %add3A = arith.addf %mul3A_40, %mul3A_41 : f32
    %gt3A_42 = vector.broadcast %add3A : f32 to vector<5x2000xf32>
    %gt3A_43 = arith.cmpf ogt, %squeeze3A, %gt3A_42 : vector<5x2000xf32>
    %convert_element_type3A_44 = arith.extui %gt3A_43 : vector<5x2000xi1> to vector<5x2000xi32>
    %convert_element_type3A_45 = arith.sitofp %convert_element_type3A_44 : vector<5x2000xi32> to vector<5x2000xf32>
    %convert_element_type3A_46 = arith.extui %gt3A_43 : vector<5x2000xi1> to vector<5x2000xi32>
    %reduce_sum3A_47 = vector.shape_cast %convert_element_type3A_46 : vector<5x2000xi32> to vector<1x5x2000xi32>
    %reduce_sum3A_48 = arith.constant dense<0> : vector<1xi32>
    %reduce_sum3A_49 = vector.multi_reduction <add>, %reduce_sum3A_47, %reduce_sum3A_48 [1, 2] : vector<1x5x2000xi32> to vector<1xi32>
    %reduce_sum3A_50 = vector.shape_cast %reduce_sum3A_49 : vector<1xi32> to vector<1x1x1xi32>
    %reduce_sum3A_51 = vector.extract %reduce_sum3A_50[0, 0, 0] : i32 from vector<1x1x1xi32>
    %convert_element_type3A_52 = arith.extui %gt3A_43 : vector<5x2000xi1> to vector<5x2000xi32>
    %broadcast_in_dim3A_53 = arith.constant 0 : i32
    %broadcast_in_dim3A_54 = vector.broadcast %broadcast_in_dim3A_53 : i32 to vector<5x1xi32>
    %slice3A = vector.extract_strided_slice %convert_element_type3A_52 {offsets = [0, 0], sizes = [5, 1999], strides = [1, 1]} : vector<5x2000xi32> to vector<5x1999xi32>
    %concatenate3A = tpu.concatenate %broadcast_in_dim3A_54, %slice3A in 1 : vector<5x1xi32>, vector<5x1999xi32> -> vector<5x2000xi32>
    %add3A_55 = arith.addi %convert_element_type3A_52, %concatenate3A : vector<5x2000xi32>
    %broadcast_in_dim3A_56 = arith.constant 0 : i32
    %broadcast_in_dim3A_57 = vector.broadcast %broadcast_in_dim3A_56 : i32 to vector<5x2xi32>
    %slice3A_58 = vector.extract_strided_slice %add3A_55 {offsets = [0, 0], sizes = [5, 1998], strides = [1, 1]} : vector<5x2000xi32> to vector<5x1998xi32>
    %concatenate3A_59 = tpu.concatenate %broadcast_in_dim3A_57, %slice3A_58 in 1 : vector<5x2xi32>, vector<5x1998xi32> -> vector<5x2000xi32>
    %add3A_60 = arith.addi %add3A_55, %concatenate3A_59 : vector<5x2000xi32>
    %broadcast_in_dim3A_61 = arith.constant 0 : i32
    %broadcast_in_dim3A_62 = vector.broadcast %broadcast_in_dim3A_61 : i32 to vector<5x4xi32>
    %slice3A_63 = vector.extract_strided_slice %add3A_60 {offsets = [0, 0], sizes = [5, 1996], strides = [1, 1]} : vector<5x2000xi32> to vector<5x1996xi32>
    %concatenate3A_64 = tpu.concatenate %broadcast_in_dim3A_62, %slice3A_63 in 1 : vector<5x4xi32>, vector<5x1996xi32> -> vector<5x2000xi32>
    %add3A_65 = arith.addi %add3A_60, %concatenate3A_64 : vector<5x2000xi32>
    %broadcast_in_dim3A_66 = arith.constant 0 : i32
    %broadcast_in_dim3A_67 = vector.broadcast %broadcast_in_dim3A_66 : i32 to vector<5x8xi32>
    %slice3A_68 = vector.extract_strided_slice %add3A_65 {offsets = [0, 0], sizes = [5, 1992], strides = [1, 1]} : vector<5x2000xi32> to vector<5x1992xi32>
    %concatenate3A_69 = tpu.concatenate %broadcast_in_dim3A_67, %slice3A_68 in 1 : vector<5x8xi32>, vector<5x1992xi32> -> vector<5x2000xi32>
    %add3A_70 = arith.addi %add3A_65, %concatenate3A_69 : vector<5x2000xi32>
    %broadcast_in_dim3A_71 = arith.constant 0 : i32
    %broadcast_in_dim3A_72 = vector.broadcast %broadcast_in_dim3A_71 : i32 to vector<5x16xi32>
    %slice3A_73 = vector.extract_strided_slice %add3A_70 {offsets = [0, 0], sizes = [5, 1984], strides = [1, 1]} : vector<5x2000xi32> to vector<5x1984xi32>
    %concatenate3A_74 = tpu.concatenate %broadcast_in_dim3A_72, %slice3A_73 in 1 : vector<5x16xi32>, vector<5x1984xi32> -> vector<5x2000xi32>
    %add3A_75 = arith.addi %add3A_70, %concatenate3A_74 : vector<5x2000xi32>
    %broadcast_in_dim3A_76 = arith.constant 0 : i32
    %broadcast_in_dim3A_77 = vector.broadcast %broadcast_in_dim3A_76 : i32 to vector<5x32xi32>
    %slice3A_78 = vector.extract_strided_slice %add3A_75 {offsets = [0, 0], sizes = [5, 1968], strides = [1, 1]} : vector<5x2000xi32> to vector<5x1968xi32>
    %concatenate3A_79 = tpu.concatenate %broadcast_in_dim3A_77, %slice3A_78 in 1 : vector<5x32xi32>, vector<5x1968xi32> -> vector<5x2000xi32>
    %add3A_80 = arith.addi %add3A_75, %concatenate3A_79 : vector<5x2000xi32>
    %broadcast_in_dim3A_81 = arith.constant 0 : i32
    %broadcast_in_dim3A_82 = vector.broadcast %broadcast_in_dim3A_81 : i32 to vector<5x64xi32>
    %slice3A_83 = vector.extract_strided_slice %add3A_80 {offsets = [0, 0], sizes = [5, 1936], strides = [1, 1]} : vector<5x2000xi32> to vector<5x1936xi32>
    %concatenate3A_84 = tpu.concatenate %broadcast_in_dim3A_82, %slice3A_83 in 1 : vector<5x64xi32>, vector<5x1936xi32> -> vector<5x2000xi32>
    %add3A_85 = arith.addi %add3A_80, %concatenate3A_84 : vector<5x2000xi32>
    %broadcast_in_dim3A_86 = arith.constant 0 : i32
    %broadcast_in_dim3A_87 = vector.broadcast %broadcast_in_dim3A_86 : i32 to vector<5x128xi32>
    %slice3A_88 = vector.extract_strided_slice %add3A_85 {offsets = [0, 0], sizes = [5, 1872], strides = [1, 1]} : vector<5x2000xi32> to vector<5x1872xi32>
    %concatenate3A_89 = tpu.concatenate %broadcast_in_dim3A_87, %slice3A_88 in 1 : vector<5x128xi32>, vector<5x1872xi32> -> vector<5x2000xi32>
    %add3A_90 = arith.addi %add3A_85, %concatenate3A_89 : vector<5x2000xi32>
    %broadcast_in_dim3A_91 = arith.constant 0 : i32
    %broadcast_in_dim3A_92 = vector.broadcast %broadcast_in_dim3A_91 : i32 to vector<5x256xi32>
    %slice3A_93 = vector.extract_strided_slice %add3A_90 {offsets = [0, 0], sizes = [5, 1744], strides = [1, 1]} : vector<5x2000xi32> to vector<5x1744xi32>
    %concatenate3A_94 = tpu.concatenate %broadcast_in_dim3A_92, %slice3A_93 in 1 : vector<5x256xi32>, vector<5x1744xi32> -> vector<5x2000xi32>
    %add3A_95 = arith.addi %add3A_90, %concatenate3A_94 : vector<5x2000xi32>
    %broadcast_in_dim3A_96 = arith.constant 0 : i32
    %broadcast_in_dim3A_97 = vector.broadcast %broadcast_in_dim3A_96 : i32 to vector<5x512xi32>
    %slice3A_98 = vector.extract_strided_slice %add3A_95 {offsets = [0, 0], sizes = [5, 1488], strides = [1, 1]} : vector<5x2000xi32> to vector<5x1488xi32>
    %concatenate3A_99 = tpu.concatenate %broadcast_in_dim3A_97, %slice3A_98 in 1 : vector<5x512xi32>, vector<5x1488xi32> -> vector<5x2000xi32>
    %add3A_100 = arith.addi %add3A_95, %concatenate3A_99 : vector<5x2000xi32>
    %broadcast_in_dim3A_101 = arith.constant 0 : i32
    %broadcast_in_dim3A_102 = vector.broadcast %broadcast_in_dim3A_101 : i32 to vector<5x1024xi32>
    %slice3A_103 = vector.extract_strided_slice %add3A_100 {offsets = [0, 0], sizes = [5, 976], strides = [1, 1]} : vector<5x2000xi32> to vector<5x976xi32>
    %concatenate3A_104 = tpu.concatenate %broadcast_in_dim3A_102, %slice3A_103 in 1 : vector<5x1024xi32>, vector<5x976xi32> -> vector<5x2000xi32>
    %add3A_105 = arith.addi %add3A_100, %concatenate3A_104 : vector<5x2000xi32>
    %slice3A_106 = vector.extract_strided_slice %add3A_105 {offsets = [0, 1999], sizes = [5, 1], strides = [1, 1]} : vector<5x2000xi32> to vector<5x1xi32>
    %broadcast_in_dim3A_107 = arith.constant 0 : i32
    %broadcast_in_dim3A_108 = vector.broadcast %broadcast_in_dim3A_107 : i32 to vector<1x1xi32>
    %slice3A_109 = vector.extract_strided_slice %slice3A_106 {offsets = [0, 0], sizes = [4, 1], strides = [1, 1]} : vector<5x1xi32> to vector<4x1xi32>
    %concatenate3A_110 = tpu.concatenate %broadcast_in_dim3A_108, %slice3A_109 in 0 : vector<1x1xi32>, vector<4x1xi32> -> vector<5x1xi32>
    %add3A_111 = arith.addi %slice3A_106, %concatenate3A_110 : vector<5x1xi32>
    %broadcast_in_dim3A_112 = arith.constant 0 : i32
    %broadcast_in_dim3A_113 = vector.broadcast %broadcast_in_dim3A_112 : i32 to vector<2x1xi32>
    %slice3A_114 = vector.extract_strided_slice %add3A_111 {offsets = [0, 0], sizes = [3, 1], strides = [1, 1]} : vector<5x1xi32> to vector<3x1xi32>
    %concatenate3A_115 = tpu.concatenate %broadcast_in_dim3A_113, %slice3A_114 in 0 : vector<2x1xi32>, vector<3x1xi32> -> vector<5x1xi32>
    %add3A_116 = arith.addi %add3A_111, %concatenate3A_115 : vector<5x1xi32>
    %broadcast_in_dim3A_117 = arith.constant 0 : i32
    %broadcast_in_dim3A_118 = vector.broadcast %broadcast_in_dim3A_117 : i32 to vector<4x1xi32>
    %slice3A_119 = vector.extract_strided_slice %add3A_116 {offsets = [0, 0], sizes = [1, 1], strides = [1, 1]} : vector<5x1xi32> to vector<1x1xi32>
    %concatenate3A_120 = tpu.concatenate %broadcast_in_dim3A_118, %slice3A_119 in 0 : vector<4x1xi32>, vector<1x1xi32> -> vector<5x1xi32>
    %add3A_121 = arith.addi %add3A_116, %concatenate3A_120 : vector<5x1xi32>
    %sub3A_122 = arith.subi %add3A_121, %slice3A_106 : vector<5x1xi32>
    %add3A_123 = vector.broadcast %sub3A_122 : vector<5x1xi32> to vector<5x2000xi32>
    %add3A_124 = arith.addi %add3A_105, %add3A_123 : vector<5x2000xi32>
    %iota3A = tpu.iota {dimensions = array<i32: 2>} : vector<1x1x100xi32>
    %add3A_125 = arith.constant 1 : i32
    %add3A_126 = vector.broadcast %add3A_125 : i32 to vector<1x1x100xi32>
    %add3A_127 = arith.addi %iota3A, %add3A_126 : vector<1x1x100xi32>
    %broadcast_in_dim3A_128 = vector.shape_cast %add3A_124 : vector<5x2000xi32> to vector<5x2000x1xi32>
    %lt3A = vector.broadcast %broadcast_in_dim3A_128 : vector<5x2000x1xi32> to vector<5x2000x100xi32>
    %lt3A_129 = vector.broadcast %add3A_127 : vector<1x1x100xi32> to vector<5x2000x100xi32>
    %lt3A_130 = arith.cmpi slt, %lt3A, %lt3A_129 : vector<5x2000x100xi32>
    %convert_element_type3A_131 = arith.extui %lt3A_130 : vector<5x2000x100xi1> to vector<5x2000x100xi32>
    %reduce_sum3A_132 = arith.constant dense<0> : vector<100xi32>
    %reduce_sum3A_133 = vector.multi_reduction <add>, %convert_element_type3A_131, %reduce_sum3A_132 [0, 1] : vector<5x2000x100xi32> to vector<100xi32>
    %iota3A_134 = tpu.iota {dimensions = array<i32: 1>} : vector<1x100xi32>
    %iota3A_135 = vector.shape_cast %iota3A_134 : vector<1x100xi32> to vector<100xi32>
    %lt3A_136 = vector.broadcast %reduce_sum3A_51 : i32 to vector<100xi32>
    %lt3A_137 = arith.cmpi slt, %iota3A_135, %lt3A_136 : vector<100xi32>
    %jit3A_138 = arith.constant 0 : i32
    %broadcast_in_dim3A_139 = vector.broadcast %jit3A_138 : i32 to vector<100xi32>
    %select_n3A_140 = arith.select %lt3A_137, %reduce_sum3A_133, %broadcast_in_dim3A_139 : vector<100xi1>, vector<100xi32>
    %swap3A = arith.constant 0 : index
    %swap3A_141 = vector.load %arg4[%swap3A] : memref<100xi32, #tpu.memory_space<vmem>>, vector<100xi32>
    tpu.vector_store %arg4[%swap3A], %select_n3A_140 {strides = array<i32>} : memref<100xi32, #tpu.memory_space<vmem>>, vector<100xi32>,
    %iota3A_142 = tpu.iota {dimensions = array<i32: 0>} : vector<5x2000xi32>
    %mul3A_143 = arith.constant 2000 : i32
    %mul3A_144 = vector.broadcast %mul3A_143 : i32 to vector<5x2000xi32>
    %mul3A_145 = arith.muli %iota3A_142, %mul3A_144 : vector<5x2000xi32>
    %iota3A_146 = tpu.iota {dimensions = array<i32: 1>} : vector<5x2000xi32>
    %add3A_147 = arith.addi %mul3A_145, %iota3A_146 : vector<5x2000xi32>
    %broadcast_in_dim3A_148 = vector.shape_cast %add3A_147 : vector<5x2000xi32> to vector<5x2000x1xi32>
    %broadcast_in_dim3A_149 = vector.shape_cast %select_n3A_140 : vector<100xi32> to vector<1x1x100xi32>
    %eq3A = vector.broadcast %broadcast_in_dim3A_148 : vector<5x2000x1xi32> to vector<5x2000x100xi32>
    %eq3A_150 = vector.broadcast %broadcast_in_dim3A_149 : vector<1x1x100xi32> to vector<5x2000x100xi32>
    %eq3A_151 = arith.cmpi eq, %eq3A, %eq3A_150 : vector<5x2000x100xi32>
    %get3A_152 = arith.constant 0 : index
    %get3A_153 = arith.constant 0 : index
    %get3A_154 = arith.constant 0 : index
    %get3A_155 = vector.load %arg1[%get3A_152, %get3A_153, %get3A_154] : memref<5x1x2000xi32, #tpu.memory_space<vmem>>, vector<5x1x2000xi32>
    %squeeze3A_156 = vector.shape_cast %get3A_155 : vector<5x1x2000xi32> to vector<5x2000xi32>
    %broadcast_in_dim3A_157 = vector.shape_cast %squeeze3A_156 : vector<5x2000xi32> to vector<5x2000x1xi32>
    %jit3A_158 = arith.constant 0 : i32
    %broadcast_in_dim3A_159 = vector.shape_cast %broadcast_in_dim3A_157 : vector<5x2000x1xi32> to vector<5x2000x1xi32>
    %broadcast_in_dim3A_160 = vector.broadcast %broadcast_in_dim3A_159 : vector<5x2000x1xi32> to vector<5x2000x100xi32>
    %broadcast_in_dim3A_161 = vector.broadcast %jit3A_158 : i32 to vector<5x2000x100xi32>
    %select_n3A_162 = arith.select %eq3A_151, %broadcast_in_dim3A_160, %broadcast_in_dim3A_161 : vector<5x2000x100xi1>, vector<5x2000x100xi32>
    %reduce_sum3A_163 = arith.constant dense<0> : vector<100xi32>
    %reduce_sum3A_164 = vector.multi_reduction <add>, %select_n3A_162, %reduce_sum3A_163 [0, 1] : vector<5x2000x100xi32> to vector<100xi32>
    %swap3A_165 = arith.constant 0 : index
    %swap3A_166 = vector.load %arg5[%swap3A_165] : memref<100xi32, #tpu.memory_space<vmem>>, vector<100xi32>
    tpu.vector_store %arg5[%swap3A_165], %reduce_sum3A_164 {strides = array<i32>} : memref<100xi32, #tpu.memory_space<vmem>>, vector<100xi32>,
    %get3A_167 = arith.constant 0 : index
    %get3A_168 = arith.constant 0 : index
    %get3A_169 = vector.load %arg2[%get3A_167, %get3A_168] : memref<2048x1xi32, #tpu.memory_space<vmem>>, vector<2048x1xi32>
    %jit3A_170 = arith.constant 2000 : i32
    %div3A = vector.broadcast %jit3A_170 : i32 to vector<2048x1xi32>
    %div3A_171 = arith.divsi %get3A_169, %div3A : vector<2048x1xi32>
    %sign3A = arith.constant 0 : i32
    %sign3A_172 = vector.broadcast %sign3A : i32 to vector<2048x1xi32>
    %sign3A_173 = arith.cmpi sgt, %get3A_169, %sign3A_172 : vector<2048x1xi32>
    %sign3A_174 = arith.extui %sign3A_173 : vector<2048x1xi1> to vector<2048x1xi32>
    %sign3A_175 = arith.constant 0 : i32
    %sign3A_176 = vector.broadcast %sign3A_175 : i32 to vector<2048x1xi32>
    %sign3A_177 = arith.cmpi slt, %get3A_169, %sign3A_176 : vector<2048x1xi32>
    %sign3A_178 = arith.extui %sign3A_177 : vector<2048x1xi1> to vector<2048x1xi32>
    %sign3A_179 = arith.subi %sign3A_174, %sign3A_178 : vector<2048x1xi32>
    %sign3A_180 = arith.constant 0 : i32
    %sign3A_181 = arith.cmpi sgt, %jit3A_170, %sign3A_180 : i32
    %sign3A_182 = arith.extui %sign3A_181 : i1 to i32
    %sign3A_183 = arith.constant 0 : i32
    %sign3A_184 = arith.cmpi slt, %jit3A_170, %sign3A_183 : i32
    %sign3A_185 = arith.extui %sign3A_184 : i1 to i32
    %sign3A_186 = arith.subi %sign3A_182, %sign3A_185 : i32
    %ne3A = vector.broadcast %sign3A_186 : i32 to vector<2048x1xi32>
    %ne3A_187 = arith.cmpi ne, %sign3A_179, %ne3A : vector<2048x1xi32>
    %rem3A = vector.broadcast %jit3A_170 : i32 to vector<2048x1xi32>
    %rem3A_188 = arith.remsi %get3A_169, %rem3A : vector<2048x1xi32>
    %ne3A_189 = arith.constant 0 : i32
    %ne3A_190 = vector.broadcast %ne3A_189 : i32 to vector<2048x1xi32>
    %ne3A_191 = arith.cmpi ne, %rem3A_188, %ne3A_190 : vector<2048x1xi32>
    %and3A = arith.andi %ne3A_187, %ne3A_191 : vector<2048x1xi1>
    %sub3A_192 = arith.constant 1 : i32
    %sub3A_193 = vector.broadcast %sub3A_192 : i32 to vector<2048x1xi32>
    %sub3A_194 = arith.subi %div3A_171, %sub3A_193 : vector<2048x1xi32>
    %select_n3A_195 = arith.select %and3A, %sub3A_194, %div3A_171 : vector<2048x1xi1>, vector<2048x1xi32>
    %iota3A_196 = tpu.iota {dimensions = array<i32: 1>} : vector<1x5xi32>
    %eq3A_197 = vector.broadcast %select_n3A_195 : vector<2048x1xi32> to vector<2048x5xi32>
    %eq3A_198 = vector.broadcast %iota3A_196 : vector<1x5xi32> to vector<2048x5xi32>
    %eq3A_199 = arith.cmpi eq, %eq3A_197, %eq3A_198 : vector<2048x5xi32>
    %convert_element_type3A_200 = arith.extui %eq3A_199 : vector<2048x5xi1> to vector<2048x5xi32>
    %convert_element_type3A_201 = arith.sitofp %convert_element_type3A_200 : vector<2048x5xi32> to vector<2048x5xf32>
    %mul3A_202 = arith.constant 2000 : i32
    %mul3A_203 = vector.broadcast %mul3A_202 : i32 to vector<2048x1xi32>
    %mul3A_204 = arith.muli %select_n3A_195, %mul3A_203 : vector<2048x1xi32>
    %sub3A_205 = arith.subi %get3A_169, %mul3A_204 : vector<2048x1xi32>
    %iota3A_206 = tpu.iota {dimensions = array<i32: 1>} : vector<1x2000xi32>
    %eq3A_207 = vector.broadcast %sub3A_205 : vector<2048x1xi32> to vector<2048x2000xi32>
    %eq3A_208 = vector.broadcast %iota3A_206 : vector<1x2000xi32> to vector<2048x2000xi32>
    %eq3A_209 = arith.cmpi eq, %eq3A_207, %eq3A_208 : vector<2048x2000xi32>
    %convert_element_type3A_210 = arith.extui %eq3A_209 : vector<2048x2000xi1> to vector<2048x2000xi32>
    %convert_element_type3A_211 = arith.sitofp %convert_element_type3A_210 : vector<2048x2000xi32> to vector<2048x2000xf32>
    %dot_general3A = arith.constant dense<0.000000e+00> : vector<5x2000xf32>
    %dot_general3A_212 = tpu.matmul %convert_element_type3A_201, %convert_element_type3A_211, %dot_general3A {dimension_numbers = #tpu.dot_dimension_numbers<[0], [0], [1], [1], [0, 1, 1, 1], [], []>, transpose_lhs_hint = false} : vector<2048x5xf32>, vector<2048x2000xf32>, vector<5x2000xf32> -> vector<5x2000xf32>
    %gt3A_213 = arith.constant 5.000000e-01 : f32
    %gt3A_214 = vector.broadcast %gt3A_213 : f32 to vector<5x2000xf32>
    %gt3A_215 = arith.cmpf ogt, %dot_general3A_212, %gt3A_214 : vector<5x2000xf32>
    %convert_element_type3A_216 = arith.extui %gt3A_215 : vector<5x2000xi1> to vector<5x2000xi32>
    %convert_element_type3A_217 = arith.sitofp %convert_element_type3A_216 : vector<5x2000xi32> to vector<5x2000xf32>
    %sub3A_218 = arith.constant 1.000000e+00 : f32
    %sub3A_219 = vector.broadcast %sub3A_218 : f32 to vector<5x2000xf32>
    %sub3A_220 = arith.subf %sub3A_219, %convert_element_type3A_217 : vector<5x2000xf32>
    %mul3A_221 = arith.mulf %sub3A_220, %convert_element_type3A_45 : vector<5x2000xf32>
    %add3A_222 = arith.addf %convert_element_type3A_217, %mul3A_221 : vector<5x2000xf32>
    %swap3A_223 = arith.constant 0 : index
    %swap3A_224 = arith.constant 0 : index
    %swap3A_225 = vector.load %arg3[%swap3A_223, %swap3A_224] : memref<5x2000xf32, #tpu.memory_space<vmem>>, vector<5x2000xf32>
    tpu.vector_store %arg3[%swap3A_223, %swap3A_224], %add3A_222 {strides = array<i32>} : memref<5x2000xf32, #tpu.memory_space<vmem>>, vector<5x2000xf32>,
    return
  }
}

</mosaic_0001>

<sc_bundles>
// kernel: kernel.5.cloned.1.call-start
scs
__scs_entry_jumppad:
0x0: {  	(pc) =	sbr.rel $0x88, $3  }
0x1: {  	(tag) =	ssettag $0x0;
	lr =	simm.s32 $0x1  }
0x2: {  	[smem:$0x3F9A] =	sst lr;
	_ =	strace $0xD0000000  }
0x3: {  	_ = 	snop  }
0x4: {  	_ = 	snop  }
0x5: {  	_ = 	snop  }
0x6: {  	_ = 	snop  }
0x7: {  	_ = 	snop  }
__scs_overlays_trampoline_lowered:
0x8: {  	[smem:$0x3FA9] =	sst s0  }
0x9: {  	[smem:$0x3FAA] =	sst s1  }
0xa: {  	[smem:$0x3FAB] =	sst s2  }
0xb: {  	[smem:$0x3FAC] =	sst s3  }
0xc: {  	[smem:$0x3FAD] =	sst s4  }
0xd: {  	[smem:$0x3FAE] =	sst s5  }
0xe: {  	[smem:$0x3FAF] =	sst s6  }
0xf: {  	[smem:$0x3FB0] =	sst s7  }
0x10: {  	[smem:$0x3FB1] =	sst s8  }
0x11: {  	[smem:$0x3FB2] =	sst s9;
	s0 =	simm.s32 @!p0 $0x0  }
0x12: {  	s1 =	sld [smem:$0x3F98];
	s0 =	simm.s32 @p0 $0x1  }
0x13: {  	[smem:$0x3FB3] =	sst s0;
	s0 =	simm.s32 @!p1 $0x0  }
0x14: {  	s2 =	sld [smem:$0x3F97];
	s0 =	simm.s32 @p1 $0x1  }
0x15: {  	[smem:$0x3FB4] =	sst s0;
	s0 =	simm.s32 @!p2 $0x0  }
0x16: {  	s3 =	sld [smem:$0x3FDB];
	s0 =	simm.s32 @p2 $0x1  }
0x17: {  	s4 =	simm.s32 $0x1BF5;
	[smem:$0x3FB6] =	sst s0  }
0x18: {  	s0 =	sld [smem:$0x3F99];
	_ =	swait.ge [sflag:s4], $0x0  }
0x19: {  	s7 =	sld [smem:$0x3F9A]  }
0x1a: {  	s8 =	sadd.s32 $0xFFFFE003, lr  }
0x1b: {  	s9 =	sadd.s32 $0xFFFFFEF7, lr;
	s5 =	simm.s32 $0xFFFFFFFF;
	p2 =	slt.u32 s8, $0xFFFFF086  }
0x1c: {  	p1 =	slt.u32 s9, $0xF7A;
	s5 =	simm.s32 @!p2 $0x0  }
0x1d: {  	s5 =	simm.s32 @p1 $0x1;
	p0 =	seq.s32 s7, s2  }
0x1e: {  	s7 =	smul.u32 @!p0 $0xF7A, s2;
	p2 =	seq.s32 @!p0 s5, $0x0  }
0x1f: {  	s9 =	smul.u32 $0xF7A, s1;
	s8 =	simm.s32 @!p0 $0x1BF5;
	p2 =	por !p2, p0  }
0x20: {  	[sflag:s8] =	ssyncset.s32 @!p0 $0xFFFFF086;
	s6 =	sadd.s32 @!p0 s3, s7;
	s7 =	simm.s32 @!p0 $0x108  }
0x21: {  	s3 =	sadd.s32 s3, s9;
	s6 =	sadd.s32 @!p0 $0x88, s6;
	s7 =	simm.s32 @p2 $0x1082  }
0x22: {  	[simem:s7], [sflag:s8] =	dma.local @!p0 [hbm:s6], $0xF7A  }
0x23: {  	s9 =	sor.u32 $0xD0000000, s2;
	s6 =	simm.s32 $0x108;
	_ =	swait.ge @!p0 [sflag:s8], $0x0  }
0x24: {  	s3 =	sadd.s32 $0x88, s3;
	s6 =	simm.s32 @!p1 $0x1082;
	[sflag:s4] =	ssyncset.s32 $0xFFFFF086  }
0x25: {  	[simem:s6], [sflag:s4] =	dma.local [hbm:s3], $0xF7A  }
0x26: {  	[smem:$0x3F9A] =	sst s1;
	(tag) =	ssettag s2;
	_ =	strace s9  }
0x27: {  	s1 =	sld [smem:$0x3FAA]  }
0x28: {  	s2 =	sld [smem:$0x3FAB]  }
0x29: {  	s4 =	sld [smem:$0x3FAD]  }
0x2a: {  	p0 =	seq.s32 s5, $0x0;
	s5 =	sld [smem:$0x3FAE]  }
0x2b: {  	s6 =	sld [smem:$0x3FAF]  }
0x2c: {  	s7 =	sld [smem:$0x3FB0]  }
0x2d: {  	s3 =	simm.s32 $0x108;
	s8 =	sld [smem:$0x3FB1]  }
0x2e: {  	s3 =	simm.s32 @!p0 $0x1082;
	s9 =	sld [smem:$0x3FB2]  }
0x2f: {  	lr =	sadd.s32 s0, s3;
	s0 =	sld [smem:$0x3FA9]  }
0x30: {  	s3 =	sld [smem:$0x3FAC]  }
0x31: {  	[smem:$0x3FB5] =	sst s10  }
0x32: {  	s10 =	sld [smem:$0x3FB3];
	_ =	sdelay $0x3  }
0x33: {  	p0 =	seq.s32 s10, $0x1;
	s10 =	sld [smem:$0x3FB5];
	_ =	sdelay $0x3  }
0x34: {  	[smem:$0x3FB5] =	sst s10  }
0x35: {  	s10 =	sld [smem:$0x3FB4];
	_ =	sdelay $0x3  }
0x36: {  	p1 =	seq.s32 s10, $0x1;
	s10 =	sld [smem:$0x3FB5];
	_ =	sdelay $0x3  }
0x37: {  	[smem:$0x3FB5] =	sst s10  }
0x38: {  	s10 =	sld [smem:$0x3FB6]  }
0x39: {  	_ = 	snop;
	(pc) =	sbr.ind lr, $3  }
0x3a: {  	_ = 	snop  }
0x3b: {  	_ = 	snop  }
0x3c: {  	p2 =	seq.s32 s10, $0x1;
	s10 =	sld [smem:$0x3FB5]  }
0x3d: {  	_ =	shalt  }
0x3e: {  	_ =	shalt  }
0x3f: {  	_ =	shalt  }
0x40: {  	_ =	shalt  }
0x41: {  	_ =	shalt  }
0x42: {  	_ =	shalt  }
0x43: {  	_ =	shalt  }
0x44: {  	_ =	shalt  }
0x45: {  	_ =	shalt  }
0x46: {  	_ =	shalt  }
0x47: {  	_ =	shalt  }
0x48: {  	_ =	shalt  }
0x49: {  	_ =	shalt  }
0x4a: {  	_ =	shalt  }
0x4b: {  	_ =	shalt  }
0x4c: {  	_ =	shalt  }
0x4d: {  	_ =	shalt  }
0x4e: {  	_ =	shalt  }
0x4f: {  	_ =	shalt  }
0x50: {  	_ =	shalt  }
0x51: {  	_ =	shalt  }
0x52: {  	_ =	shalt  }
0x53: {  	_ =	shalt  }
0x54: {  	_ =	shalt  }
0x55: {  	_ =	shalt  }
0x56: {  	_ =	shalt  }
0x57: {  	_ =	shalt  }
0x58: {  	_ =	shalt  }
0x59: {  	_ =	shalt  }
0x5a: {  	_ =	shalt  }
0x5b: {  	_ =	shalt  }
0x5c: {  	_ =	shalt  }
0x5d: {  	_ =	shalt  }
0x5e: {  	_ =	shalt  }
0x5f: {  	_ =	shalt  }
0x60: {  	_ =	shalt  }
0x61: {  	_ =	shalt  }
0x62: {  	_ =	shalt  }
0x63: {  	_ =	shalt  }
0x64: {  	_ =	shalt  }
0x65: {  	_ =	shalt  }
0x66: {  	_ =	shalt  }
0x67: {  	_ =	shalt  }
0x68: {  	_ =	shalt  }
0x69: {  	_ =	shalt  }
0x6a: {  	_ =	shalt  }
0x6b: {  	_ =	shalt  }
0x6c: {  	_ =	shalt  }
0x6d: {  	_ =	shalt  }
0x6e: {  	_ =	shalt  }
0x6f: {  	_ =	shalt  }
0x70: {  	_ =	shalt  }
0x71: {  	_ =	shalt  }
0x72: {  	_ =	shalt  }
0x73: {  	_ =	shalt  }
0x74: {  	_ =	shalt  }
0x75: {  	_ =	shalt  }
0x76: {  	_ =	shalt  }
0x77: {  	_ =	shalt  }
0x78: {  	_ =	shalt  }
0x79: {  	_ =	shalt  }
0x7a: {  	_ =	shalt  }
0x7b: {  	_ =	shalt  }
0x7c: {  	_ =	shalt  }
0x7d: {  	_ =	shalt  }
0x7e: {  	_ =	shalt  }
0x7f: {  	_ =	shalt  }
0x80: {  	_ =	shalt  }
0x81: {  	_ =	shalt  }
0x82: {  	_ =	shalt  }
0x83: {  	_ =	shalt  }
0x84: {  	_ =	shalt  }
0x85: {  	_ =	shalt  }
0x86: {  	_ =	shalt  }
0x87: {  	_ =	shalt  }
.Lfunc_end0:
.L_simem_size_0:
called_computation_lowered:
.L_overlay_start_0:
0x88: {  	s2 =	sld [smem:$0x3FD9]  }
0x89: {  	s3 =	sld [smem:$0x3FFE];
	_ =	sdelay $0x1  }
0x8a: {  	s1 =	srdreg.scid  }
0x8b: {  	s0 =	sand.u32 $0x1, s1  }
0x8c: {  	s14 =	sshll.u32 s0, $0xA;
	s2 =	sadd.s32 s3, s2  }
0x8d: {  	s2 =	sadd.s32 s2, s14  }
0x8e: {  	[smem:$0x3FC1] =	sst s2  }
0x8f: {  	_ = 	snop  }
0x90: {  	s2 =	sld [smem:$0x3FD0];
	_ =	sdelay $0x2  }
0x91: {  	s4 =	simm.s32 $0xA;
	s5 =	simm.s32 $0x10;
	s15 =	sld [smem:$0x3FC9]  }
0x92: {  	[smem:s5], [sflag:s4] =	dma.local [hbm:s2], $0x1  }
0x93: {  	_ =	swait.eq [sflag:s4], $0x1  }
0x94: {  	[sflag:s4] =	ssyncset.done $0x0  }
0x95: {  	[sflag:s4] =	ssyncadd.s32 $0xFFFFFFFF  }
0x96: {  	s16 =	sld [smem:$0x10];
	(tm) =	ssettm $0x1  }
0x97: {  	s17 =	sld [smem:$0x3FFB];
	_ =	sdelay $0x3  }
0x98: {  	_ =	strace s17  }
0x99: {  	s4 =	sld [smem:$0x3FFC];
	_ =	sdelay $0x3  }
0x9a: {  	_ =	strace s4  }
0x9b: {  	s4 =	sld [smem:$0x3FFD];
	_ =	sdelay $0x3  }
0x9c: {  	_ =	strace s4  }
0x9d: {  	_ =	strace $0x8FFFFFFF  }
0x9e: {  	s18 =	sld [smem:$0x3FDB];
	_ =	sdelay $0x1  }
0x9f: {  	s19 =	simm.s32 $_scs_section_size  }
0xa0: {  	s6 =	simm.s32 $_size__tile_overlayer_lowered;
	s7 =	simm.s32 $_tile_overlayer_lowered  }
0xa1: {  	s22 =	simm.s32 $0x1BFF;
	s21 =	sshll.u32 s7, $0x1;
	s4 =	sadd.s32 s19, s18  }
0xa2: {  	s8 =	simm.s32 $0x0;
	s20 =	sshll.u32 s6, $0x1;
	s6 =	sadd.s32 s21, s4  }
0xa3: {  	[timem:s8], [sflag:s22] =	dma.local [hbm:s6], s20  }
0xa4: {  	_ =	swait.ge [sflag:s22], s20  }
0xa5: {  	s5 =	ssub.s32 $0x0, s20;
	[sflag:s22] =	ssyncset.done $0x0  }
0xa6: {  	[sflag:s22] =	ssyncadd.s32 s5;
	_ =	sdelay $0x1  }
0xa7: {  	s23 =	simm.s32 $0x1B8B  }
0xa8: {  	_ =	swait.ge [sflag:s23], $0x1  }
0xa9: {  	[sflag:s23] =	ssyncset.done $0x0  }
0xaa: {  	s25 =	simm.s32 $0x1B8E;
	s24 =	sld [smem:$0x3FFE];
	[sflag:s23] =	ssyncadd.s32 $0xFFFFFFFF  }
0xab: {  	s26 =	simm.s32 $execute0_lowered;
	[smem:$0x3FD2] =	sst s25  }
0xac: {  	s6 =	sshll.u32 s26, $0x1;
	_ =	strace $0x80000046;
	[dreg:$0x1] =	wrdreg $0xFFFFFFFF  }
0xad: {  	s28 =	simm.s32 $_size_execute0_lowered;
	s4 =	sadd.s32 s4, s6;
	[dreg:$0x0] =	wrdreg $0x0  }
0xae: {  	s6 =	sshll.u32 s28, $0x1;
	[dreg:$0x2] =	wrdreg s4  }
0xaf: {  	[dreg:$0x3] =	wrdreg s6  }
0xb0: {  	[dreg:$0x4] =	wrdreg $0xC0  }
0xb1: {  	_ =	task [dreg:s8], $0x5FFFF  }
0xb2: {  	[dreg:$0x1] =	wrdreg $0xFFFFFFFF  }
0xb3: {  	[dreg:$0x0] =	wrdreg $0x60  }
0xb4: {  	[dreg:$0x2] =	wrdreg s15  }
0xb5: {  	[dreg:$0x3] =	wrdreg s16  }
0xb6: {  	[dreg:$0x4] =	wrdreg s24  }
0xb7: {  	[dreg:$0x5] =	wrdreg $0x9  }
0xb8: {  	_ =	task.clear_ibuf [dreg:s8], $0x6FFFF;
	_ =	strace $0x90000046  }
0xb9: {  	s29 =	simm.s32 $0x9;
	_ =	strace $0x80000048  }
0xba: {  	_ =	swait.ge [sflag:s29], $0x1  }
0xbb: {  	[sflag:s29] =	ssyncadd.s32 $0xFFFFFFFF  }
0xbc: {  	_ =	strace $0x90000048  }
0xbd: {  	_ =	sfence  }
0xbe: {  	s30 =	sld [smem:$0x0];
	_ =	sdelay $0x2  }
0xbf: {  	s31 =	sshll.u32 s1, $0xD;
	s1 =	sshrl.u32 s1, $0x2  }
0xc0: {  	s3 =	sand.u32 $0x4000, s31;
	s1 =	sadd.s32 s1, s30  }
0xc1: {  	s0 =	sor.u32 s3, s0;
	s1 =	sshll.u32 s1, $0x11  }
0xc2: {  	s0 =	sor.u32 s1, s0  }
0xc3: {  	s0 =	sadd.s32 $0x8F2B, s0  }
0xc4: {  	[sflag:s0] =	ssyncadd.remote.s32 $0x1  }
0xc5: {  	_ =	sfence.sel $0xFFFF  }
0xc6: {  	[dreg:$0x0] =	wrdreg $0xFFFFFFFF;
	(pc) =	sbr.abs _section_cstart, $3  }
0xc7: {  	[dreg:$0x1] =	wrdreg $0xFFFFFFFF  }
0xc8: {  	_ =	task.clear_ibuf [dreg:s8], $0x2FFFF;
	_ =	strace $0x9FFFFFFF  }
0xc9: {  	(tm) =	ssettm $0x7FFFFFFF  }
tec
execute0_lowered:
.L_overlay_start_1:
0x0: {  	(tag) =	ssettag $0x1  }
0x1: {  	s1 =	rddreg [dreg:$0x0]  }
0x2: {  	s4 =	rddreg [dreg:$0x1]  }
0x3: {  	s5 =	rddreg [dreg:$0x2]  }
0x4: {  	s0 =	rddreg [dreg:$0x3];
	s6 =	srdreg.scid  }
0x5: {  	s3 =	simm.s32 $0x0;
	s2 =	stileid.u32;
	s10 =	simm.s32 $0x1080  }
0x6: {  	s11 =	simm.s32 $0x1880;
	s12 =	simm.s32 $0x2080;
	s13 =	simm.s32 $0x2880  }
0x7: {  	s14 =	simm.s32 $0x3080;
	s15 =	simm.s32 $0x3880;
	s6 =	sand.u32 $0x1, s6  }
0x8: {  	s16 =	simm.s32 $0x1;
	s7 =	sshll.u32 s2, $0x7;
	s8 =	sshll.u32 s6, $0x6  }
0x9: {  	[smem:$0x7FF] =	sst s3;
	s6 =	ssub.s32 $0x2, s6;
	s7 =	sor.u32 s8, s7  }
0xa: {  	_ =	strace $0x80000047;
	s9 =	sshrl.u32 s6, $0x1;
	s8 =	sshll.u32 s7, $0x5  }
0xb: {  	v2 =	vlaneseq.u32;
	s7 =	sshrl.u32 s7, $0x3;
	s6 =	ssub.s32 s6, s9;
	s9 =	simm.s32 $0x880  }
0xc: {  	vm0 =	vmmov $0xffff;
	v1 =	vshrl.u32 v2, $0x3;
	s5 =	sadd.s32 s8, s5;
	s4 =	sadd.s32 s4, s7;
	s6 =	smax.u32 s6, $0x1  }
0xd: {  	v0 =	vand.u32 $0x7, v2;
	v2 =	vor.u32 $0x8, v2;
	v1 =	vmul.u32 $0x8, v1;
	s7 =	simm.s32 $0x2;
	s8 =	simm.s32 $0x80;
	s5 =	sadd.s32 $0x1400, s5  }
.LBB2_1:
0xe: {  	[tilespmem:s3], [sflag:$0x2] =	stream.linear.gather [hbm4b:s4+s3], $0x40, $0x38;
	[tilespmem:$0x4080] =	vst v63  }
0xf: {  	_ =	swait.ge [sflag:s7], $0x40  }
0x10: {  	[sflag:s7] =	ssyncset.done $0x0  }
0x11: {  	[sflag:s7] =	ssyncadd.s32 $0xFFFFFFC0  }
0x12: {  	v3 =	vld [tilespmem:$0x0];
	_ =	sdelay $0x4  }
0x13: {  	v4 =	vshll.u32 v3, $0x1  }
0x14: {  	v3 =	vand.u32 $0x7, v3;
	v4 =	vand.u32 $0xFFFFFFF0, v4  }
0x15: {  	v3 =	vor.u32 v3, v4  }
0x16: {  	v4 =	vperm.xlane v3, v0;
	_ =	sdelay $0x1  }
0x17: {  	v3 =	vperm.xlane v3, v2;
	v4 =	vadd.s32 v1, v4;
	_ =	sdelay $0x1  }
0x18: {  	v3 =	vadd.s32 v1, v3;
	_ =	sdelay $0x2  }
0x19: {  	[tilespmem:s8], [sflag:$0x1] =	stream.indirect_vreg.gather [hbm4b:s1+s3], $0x80, v4, vm0, $0xb8;
	[tilespmem:$0x4080] =	vst v63  }
0x1a: {  	_ = 	snop  }
0x1b: {  	[tilespmem:s9], [sflag:$0x1] =	stream.indirect_vreg.gather [hbm4b:s1+s3], $0x80, v3, vm0, $0xb8;
	[tilespmem:$0x4080] =	vst v63  }
0x1c: {  	v3 =	vld [tilespmem:$0x10];
	_ =	sdelay $0x4  }
0x1d: {  	v61 =	vshll.u32 v3, $0x1  }
0x1e: {  	v3 =	vand.u32 $0x7, v3;
	v4 =	vand.u32 $0xFFFFFFF0, v61  }
0x1f: {  	v3 =	vor.u32 v3, v4  }
0x20: {  	v4 =	vperm.xlane v3, v0;
	_ =	sdelay $0x1  }
0x21: {  	v3 =	vperm.xlane v3, v2;
	v4 =	vadd.s32 v1, v4;
	_ =	sdelay $0x1  }
0x22: {  	v3 =	vadd.s32 v1, v3;
	_ =	sdelay $0x2  }
0x23: {  	[tilespmem:s10], [sflag:$0x1] =	stream.indirect_vreg.gather [hbm4b:s1+s3], $0x80, v4, vm0, $0xb8;
	[tilespmem:$0x4080] =	vst v63  }
0x24: {  	_ = 	snop  }
0x25: {  	[tilespmem:s11], [sflag:$0x1] =	stream.indirect_vreg.gather [hbm4b:s1+s3], $0x80, v3, vm0, $0xb8;
	[tilespmem:$0x4080] =	vst v63  }
0x26: {  	v3 =	vld [tilespmem:$0x20];
	_ =	sdelay $0x4  }
0x27: {  	v62 =	vshll.u32 v3, $0x1  }
0x28: {  	v3 =	vand.u32 $0x7, v3;
	v4 =	vand.u32 $0xFFFFFFF0, v62  }
0x29: {  	v3 =	vor.u32 v3, v4  }
0x2a: {  	v4 =	vperm.xlane v3, v0;
	_ =	sdelay $0x1  }
0x2b: {  	v3 =	vperm.xlane v3, v2;
	v4 =	vadd.s32 v1, v4;
	_ =	sdelay $0x1  }
0x2c: {  	v3 =	vadd.s32 v1, v3;
	_ =	sdelay $0x2  }
0x2d: {  	[tilespmem:s12], [sflag:$0x1] =	stream.indirect_vreg.gather [hbm4b:s1+s3], $0x80, v4, vm0, $0xb8;
	[tilespmem:$0x4080] =	vst v63  }
0x2e: {  	_ = 	snop  }
0x2f: {  	[tilespmem:s13], [sflag:$0x1] =	stream.indirect_vreg.gather [hbm4b:s1+s3], $0x80, v3, vm0, $0xb8;
	[tilespmem:$0x4080] =	vst v63  }
0x30: {  	v3 =	vld [tilespmem:$0x30];
	_ =	sdelay $0x4  }
0x31: {  	v63 =	vshll.u32 v3, $0x1  }
0x32: {  	v3 =	vand.u32 $0x7, v3;
	v4 =	vand.u32 $0xFFFFFFF0, v63  }
0x33: {  	v3 =	vor.u32 v3, v4  }
0x34: {  	v4 =	vperm.xlane v3, v0;
	_ =	sdelay $0x1  }
0x35: {  	v3 =	vperm.xlane v3, v2;
	v4 =	vadd.s32 v1, v4;
	_ =	sdelay $0x1  }
0x36: {  	v3 =	vadd.s32 v1, v3;
	_ =	sdelay $0x2  }
0x37: {  	[tilespmem:s14], [sflag:$0x1] =	stream.indirect_vreg.gather [hbm4b:s1+s3], $0x80, v4, vm0, $0xb8;
	[tilespmem:$0x4080] =	vst v63  }
0x38: {  	_ = 	snop  }
0x39: {  	[tilespmem:s15], [sflag:$0x1] =	stream.indirect_vreg.gather [hbm4b:s1+s3], $0x80, v3, vm0, $0xb8;
	[tilespmem:$0x4080] =	vst v63  }
0x3a: {  	_ =	swait.ge [sflag:s16], $0x4000  }
0x3b: {  	p0 =	sne.s32 s6, $0x1;
	[sflag:s16] =	ssyncset.done $0x0  }
.Ltmp0:
0x3c: {  	[sflag:s16] =	ssyncadd.s32 $0xFFFFC000;
	(pc) =	sbr.rel @p0 .LBB2_1-.Ltmp0, $4  }
0x3d: {  	[hbm4b:s5+s3] =	stream.linear.scatter [tilespmem:s8], [sflag:$0x2], $0x4000, $0x38;
	[tilespmem:$0x4080] =	vst v63  }
0x3e: {  	_ =	swait.ge [sflag:s7], $0x4000  }
0x3f: {  	[sflag:s7] =	ssyncset.done $0x0  }
0x40: {  	s6 =	sadd.s32 $0xFFFFFFFF, s6;
	[sflag:s7] =	ssyncadd.s32 $0xFFFFC000  }
0x41: {  	_ =	sfence.sel $0x180000  }
0x42: {  	[bflag:$0x0] =	sbarrier.arrive $0xFFFF  }
0x43: {  	p0 =	sne.s32 s2, $0x0;
	_ =	strace $0x90000047  }
0x44: {  	s0 =	sadd.s32 @!p0 $0x100000, s0;
	[bflag:$0x2] =	sbarrier.arrive $0xFFFF  }
0x45: {  	[sflag:s0] =	ssyncadd.tile.s32 @!p0 $0x1;
	_ =	shalt  }
.Lfunc_end2:
_tile_overlayer_lowered:
.L_overlay_start_2:
0x46: {  	(tag) =	ssettag $0x2  }
0x47: {  	s0 =	rddreg [dreg:$0x0];
	s2 =	stileid.u32  }
0x48: {  	s1 =	rddreg [dreg:$0x1];
	p0 =	sne.s32 s2, $0x0  }
0x49: {  	s3 =	rddreg [dreg:$0x2];
	[bflag:$0x3] =	sbarrier.arrive $0xFFFF;
	s2 =	simm.s32 @!p0 $0x1C02  }
0x4a: {  	[timem:s3], [sflag:s2] =	dma.local @!p0 [hbm:s0], s1  }
0x4b: {  	s0 =	simm.s32 @!p0 $0x2  }
0x4c: {  	_ =	swait.ge @!p0 [sflag:s0], s1  }
0x4d: {  	s1 =	ssub.s32 @!p0 $0x0, s1;
	[sflag:s0] =	ssyncset.done @!p0 $0x0  }
0x4e: {  	[sflag:s0] =	ssyncadd.s32 @!p0 s1  }
0x4f: {  	[bflag:$0x3] =	sbarrier.arrive $0xFFFF  }
0x50: {  	_ =	shalt  }

</sc_bundles>
